<compile_context>
chip_gen: v7x
topology: tpu7x:2x2x1
jax: 0.10.2.dev20260603
libtpu: 0.0.44.dev20260713+nightly
codegen_flags: <defaults>
</compile_context>

<pallas_src>
import functools

import jax
import jax.numpy as jnp
from jax import lax
from jax.experimental import pallas as pl
from jax.experimental.pallas import tpu as pltpu
from jax.experimental.pallas import tpu_sc as plsc

NGRAM_SIZES = (2, 3, 4)
M = 2000003
B_ROWS, S_LEN = 4096, 200

_NC = 2
_NS = 16
_NW = _NC * _NS
_ROWS_PER_W = B_ROWS // _NW
_RB = 32
_NBATCH = _ROWS_PER_W // _RB
_WORDS = _RB * S_LEN
_N_STRIDE = B_ROWS * S_LEN
_INV_M = 1.0 / M


def _mod_m(a):
    q = (a.astype(jnp.float32) * _INV_M).astype(jnp.int32)
    r = a - q * M
    r = jnp.where(r < 0, r + M, r)
    r = jnp.where(r >= M, r - M, r)
    return r


def _hash_batch(xbuf, xoff, i2, i3, i4, iota):
    n_grp = _RB // 16
    rbs = [(iota + 16 * g) * S_LEN for g in range(n_grp)]

    def hist(rb):
        p1 = iota - 1
        p2 = iota - 2
        p3 = iota - 3
        l1 = plsc.load_gather(xbuf, [xoff + rb + jnp.maximum(p1, 0)])
        l2 = plsc.load_gather(xbuf, [xoff + rb + jnp.maximum(p2, 0)])
        l3 = plsc.load_gather(xbuf, [xoff + rb + jnp.maximum(p3, 0)])
        vm1 = jnp.where(p1 >= 0, l1, 0)
        vm2 = jnp.where(p2 >= 0, l2, 0)
        vm3 = jnp.where(p3 >= 0, l3, 0)
        h3p = _mod_m(vm3 * 17161 + vm2 * 131 + vm1)
        return vm1, vm2, h3p

    init = sum((hist(rb) for rb in rbs), start=(iota,))

    @plsc.parallel_loop(0, S_LEN, unroll=2, carry=init)
    def _step(t, carry):
        pos = carry[0]
        states = [carry[1 + 3 * g: 4 + 3 * g] for g in range(n_grp)]
        posn = pos + 1
        w = posn >= S_LEN
        pos_next = jnp.where(w, posn - S_LEN, posn)
        out = (pos_next,)
        for rb, (vm1, vm2, h3p) in zip(rbs, states):
            idx = rb + pos
            v0 = plsc.load_gather(xbuf, [xoff + idx])
            a2 = vm1 * 131 + v0
            h2 = _mod_m(a2)
            h3 = _mod_m(vm2 * 17161 + a2)
            h4 = _mod_m(h3p * 131 + v0)
            plsc.store_scatter(i2, [idx], h2)
            plsc.store_scatter(i3, [idx], h3)
            plsc.store_scatter(i4, [idx], h4)
            out = out + (jnp.where(w, 0, v0),
                         jnp.where(w, 0, vm1),
                         jnp.where(w, 0, h3))
        return out


def _ngram_kernel(x_hbm, t2_hbm, t3_hbm, t4_hbm, out_hbm, xbuf,
                  i2a, i3a, i4a, g2a, g3a, g4a,
                  i2b, i3b, i4b, g2b, g3b, g4b,
                  sga, sgb, soa, sob):
    wid = lax.axis_index("s") * _NC + lax.axis_index("c")
    iota = lax.iota(jnp.int32, 16)
    tabs = (t2_hbm, t3_hbm, t4_hbm)
    set_a = ((i2a, i3a, i4a), (g2a, g3a, g4a), sga, soa)
    set_b = ((i2b, i3b, i4b), (g2b, g3b, g4b), sgb, sob)

    src0 = pl.multiple_of(wid * _ROWS_PER_W * S_LEN, 256)
    pltpu.sync_copy(x_hbm.at[pl.ds(src0, _ROWS_PER_W * S_LEN)], xbuf)

    def fire_gathers(s):
        idxs, gs, sg, _ = s
        for tab, i, g in zip(tabs, idxs, gs):
            pltpu.async_copy(tab.at[i], g, sg)

    def wait_gathers(s):
        idxs, gs, sg, _ = s
        for tab, i, g in zip(tabs, idxs, gs):
            pltpu.make_async_copy(tab.at[i], g, sg).wait()

    def out_copies(s, b):
        _, gs, _, so = s
        ro = pl.multiple_of((wid * _ROWS_PER_W + b * _RB) * S_LEN, 256)
        return [
            pltpu.make_async_copy(g, out_hbm.at[pl.ds(n * _N_STRIDE + ro, _WORDS)], so)
            for n, g in enumerate(gs)
        ]

    def fire_outs(s, b):
        for cp in out_copies(s, b):
            cp.start()

    def wait_outs(s, b):
        for cp in out_copies(s, b):
            cp.wait()

    def pair_body(k, carry):
        b0 = 2 * k
        b1 = 2 * k + 1
        _hash_batch(xbuf, b0 * _WORDS, i2a, i3a, i4a, iota)

        @pl.when(k > 0)
        def _():
            wait_outs(set_a, b0 - 2)

        fire_gathers(set_a)
        _hash_batch(xbuf, b1 * _WORDS, i2b, i3b, i4b, iota)

        @pl.when(k > 0)
        def _():
            wait_gathers(set_b)
            fire_outs(set_b, b0 - 1)
            wait_outs(set_b, b0 - 1)

        fire_gathers(set_b)
        wait_gathers(set_a)
        fire_outs(set_a, b0)
        return carry

    lax.fori_loop(0, _NBATCH // 2, pair_body, 0)
    last = _NBATCH - 1
    wait_gathers(set_b)
    fire_outs(set_b, last)
    wait_outs(set_a, last - 1)
    wait_outs(set_b, last)


@jax.jit
def kernel(x, table_2, table_3, table_4):
    mesh = plsc.VectorSubcoreMesh(core_axis_name="c", subcore_axis_name="s")
    vi = lambda: pltpu.VMEM((_WORDS,), jnp.int32)
    vf = lambda: pltpu.VMEM((_WORDS,), jnp.float32)
    run = functools.partial(
        pl.kernel,
        mesh=mesh,
        out_type=jax.ShapeDtypeStruct((3 * B_ROWS * S_LEN,), jnp.float32),
        compiler_params=pltpu.CompilerParams(needs_layout_passes=False),
        scratch_types=[
            pltpu.VMEM((_ROWS_PER_W * S_LEN,), jnp.int32),
            vi(), vi(), vi(), vf(), vf(), vf(),
            vi(), vi(), vi(), vf(), vf(), vf(),
            pltpu.SemaphoreType.DMA,
            pltpu.SemaphoreType.DMA,
            pltpu.SemaphoreType.DMA,
            pltpu.SemaphoreType.DMA,
        ],
    )(_ngram_kernel)
    out = run(x.reshape(-1), table_2, table_3, table_4)
    return out.reshape(len(NGRAM_SIZES), B_ROWS, S_LEN)

# --- scband reference (transcript-rebuilt; emitter-appended) ---
"""Pipeline reference for scband-realtime-ngram-processor-25890062860790 (READ-ONLY COPY).

The authoritative reference and input builder live on the scoring server;
editing this copy changes nothing except your own understanding.
"""

import jax, jax.numpy as jnp
import numpy as np

NGRAM_SIZES = (2, 3, 4)
HASH_SPACE = 2000003
MAX_SIZE = 100000
B, S = 4096, 200


def setup_inputs(seed: int = 0) -> dict:
    key = jax.random.key(seed)
    kx, k2, k3, k4 = jax.random.split(key, 4)
    x = jax.random.randint(kx, (B, S), 0, MAX_SIZE, dtype=jnp.int32)
    tables = {}
    for n, k in zip(NGRAM_SIZES, (k2, k3, k4)):
        # Emulates ngram_to_idx_tables[n]: maps a hashed ngram key to a vocab id in [0, max_size+4).
        ids = jax.random.randint(k, (HASH_SPACE,), 0, MAX_SIZE + 4)
        tables[f"table_{n}"] = ids.astype(jnp.float32)
    return {"x": x, **tables}


def _ngram_ids(x, table, n):
    # pad left with n-1 zeros, as in _compute_ngram_ids
    padded = jnp.pad(x, ((0, 0), (n - 1, 0)), mode="constant", constant_values=0)
    S_ = x.shape[1]
    # sliding windows [B, S, n]
    windows = jnp.stack([padded[:, i:i + S_] for i in range(n)], axis=-1)
    # rolling hash of the ngram tuple -> key into the id table (dict lookup emulation)
    h = jnp.zeros(windows.shape[:2], dtype=jnp.int32)
    for i in range(n):
        h = (h * 131 + windows[..., i]) % HASH_SPACE
    # memory-bound gather into the per-n lookup table
    return jnp.take(table, h, axis=0)


def reference(x, table_2, table_3, table_4):
    tables = {2: table_2, 3: table_3, 4: table_4}
    outs = [_ngram_ids(x, tables[n], n) for n in NGRAM_SIZES]
    # stack_ngrams: stack along dim 0 -> [len(ngram_sizes), B, S]
    return jnp.stack(outs, axis=0)

if __name__ == "__main__":
    import jax
    _d = setup_inputs()
    print(jax.jit(kernel)(*tuple(_d.values())))

</pallas_src>

<mosaic_0001>
#map = affine_map<(d0, d1) -> (0)>
module attributes {stable_mosaic.version = 14 : i64} {
  func.func @_ngram_kernel(%arg0: i32, %arg1: i32, %arg2: memref<819200xi32, #tpu.memory_space<hbm>>, %arg3: memref<2000003xf32, #tpu.memory_space<hbm>>, %arg4: memref<2000003xf32, #tpu.memory_space<hbm>>, %arg5: memref<2000003xf32, #tpu.memory_space<hbm>>, %arg6: memref<2457600xf32, #tpu.memory_space<hbm>>, %arg7: memref<25600xi32, #tpu.memory_space<vmem>>, %arg8: memref<6400xi32, #tpu.memory_space<vmem>>, %arg9: memref<6400xi32, #tpu.memory_space<vmem>>, %arg10: memref<6400xi32, #tpu.memory_space<vmem>>, %arg11: memref<6400xf32, #tpu.memory_space<vmem>>, %arg12: memref<6400xf32, #tpu.memory_space<vmem>>, %arg13: memref<6400xf32, #tpu.memory_space<vmem>>, %arg14: memref<6400xi32, #tpu.memory_space<vmem>>, %arg15: memref<6400xi32, #tpu.memory_space<vmem>>, %arg16: memref<6400xi32, #tpu.memory_space<vmem>>, %arg17: memref<6400xf32, #tpu.memory_space<vmem>>, %arg18: memref<6400xf32, #tpu.memory_space<vmem>>, %arg19: memref<6400xf32, #tpu.memory_space<vmem>>, %arg20: memref<!tpu.dma_semaphore, #tpu.memory_space<semaphore_mem>>, %arg21: memref<!tpu.dma_semaphore, #tpu.memory_space<semaphore_mem>>, %arg22: memref<!tpu.dma_semaphore, #tpu.memory_space<semaphore_mem>>, %arg23: memref<!tpu.dma_semaphore, #tpu.memory_space<semaphore_mem>>) attributes {dimension_semantics = [#tpu.dimension_semantics<core_parallel>, #tpu.dimension_semantics<subcore_parallel>], iteration_bounds = array<i64: 2, 16>, scalar_prefetch = 0 : i64, scratch_operands = 17 : i64, tpu.core_type = #tpu.core_type<sc_vector_subcore>, window_params = [{transform_indices = #map}, {transform_indices = #map}, {transform_indices = #map}, {transform_indices = #map}, {transform_indices = #map}]} {
    %mul3A = arith.constant 2 : i32
    %mul3A_0 = arith.muli %arg1, %mul3A : i32
    %add3A = arith.addi %mul3A_0, %arg0 : i32
    %iota3A = tpu.iota {dimensions = array<i32: 0>} : vector<16xi32>
    %mul3A_1 = arith.constant 128 : i32
    %mul3A_2 = arith.muli %add3A, %mul3A_1 : i32
    %mul3A_3 = arith.constant 200 : i32
    %mul3A_4 = arith.muli %mul3A_2, %mul3A_3 : i32
    %multiple_of3A = tpu.assume_multiple %mul3A_4, 256 : i32
    "tpu.region"() ({
      %run_scoped3A = tpu.sem_alloc : memref<!tpu.dma_semaphore, #tpu.memory_space<semaphore_mem>>
      %dma_start3A_71 = tpu.memref_slice %arg2[%multiple_of3A] : memref<819200xi32, #tpu.memory_space<hbm>> -> memref<25600xi32, #tpu.memory_space<hbm>>
      %dma_start3A_72 = tpu.memref_slice %arg2[%multiple_of3A] : memref<819200xi32, #tpu.memory_space<hbm>> -> memref<25600xi32, #tpu.memory_space<hbm>>
      tpu.enqueue_dma source(%dma_start3A_72 : memref<25600xi32, #tpu.memory_space<hbm>>) target(%arg7 : memref<25600xi32, #tpu.memory_space<vmem>>) target_semaphore(%run_scoped3A : memref<!tpu.dma_semaphore, #tpu.memory_space<semaphore_mem>>)
      %dma_wait3A_73 = tpu.memref_slice %arg2[%multiple_of3A] : memref<819200xi32, #tpu.memory_space<hbm>> -> memref<25600xi32, #tpu.memory_space<hbm>>
      %dma_wait3A_74 = tpu.memref_slice %arg2[%multiple_of3A] : memref<819200xi32, #tpu.memory_space<hbm>> -> memref<25600xi32, #tpu.memory_space<hbm>>
      tpu.wait_dma2 semaphore(%run_scoped3A : memref<!tpu.dma_semaphore, #tpu.memory_space<semaphore_mem>>) src(%dma_wait3A_74 : memref<25600xi32, #tpu.memory_space<hbm>>) dst(%arg7 : memref<25600xi32, #tpu.memory_space<vmem>>)
      tpu.yield
    }) : () -> ()
    %scan3A = arith.constant 0 : i32
    %scan3A_5 = arith.constant 0 : i32
    %scan3A_6 = arith.constant 2 : i32
    %scan3A_7 = arith.addi %scan3A_5, %scan3A_6 : i32
    %scan3A_8 = arith.constant 1 : i32
    scf.for %scan3A_71 = %scan3A_5 to %scan3A_7 step %scan3A_8  : i32 {
      %mul3A_72 = arith.constant 2 : i32
      %mul3A_73 = arith.muli %mul3A_72, %scan3A_71 : i32
      %mul3A_74 = arith.constant 2 : i32
      %mul3A_75 = arith.muli %mul3A_74, %scan3A_71 : i32
      %add3A_76 = arith.constant 1 : i32
      %add3A_77 = arith.addi %mul3A_75, %add3A_76 : i32
      %mul3A_78 = arith.constant 6400 : i32
      %mul3A_79 = arith.muli %mul3A_73, %mul3A_78 : i32
      %add3A_80 = arith.constant 0 : i32
      %add3A_81 = vector.broadcast %add3A_80 : i32 to vector<16xi32>
      %add3A_82 = arith.addi %iota3A, %add3A_81 : vector<16xi32>
      %mul3A_83 = arith.constant 200 : i32
      %mul3A_84 = vector.broadcast %mul3A_83 : i32 to vector<16xi32>
      %mul3A_85 = arith.muli %add3A_82, %mul3A_84 : vector<16xi32>
      %add3A_86 = arith.constant 16 : i32
      %add3A_87 = vector.broadcast %add3A_86 : i32 to vector<16xi32>
      %add3A_88 = arith.addi %iota3A, %add3A_87 : vector<16xi32>
      %mul3A_89 = arith.constant 200 : i32
      %mul3A_90 = vector.broadcast %mul3A_89 : i32 to vector<16xi32>
      %mul3A_91 = arith.muli %add3A_88, %mul3A_90 : vector<16xi32>
      %sub3A = arith.constant 1 : i32
      %sub3A_92 = vector.broadcast %sub3A : i32 to vector<16xi32>
      %sub3A_93 = arith.subi %iota3A, %sub3A_92 : vector<16xi32>
      %sub3A_94 = arith.constant 2 : i32
      %sub3A_95 = vector.broadcast %sub3A_94 : i32 to vector<16xi32>
      %sub3A_96 = arith.subi %iota3A, %sub3A_95 : vector<16xi32>
      %sub3A_97 = arith.constant 3 : i32
      %sub3A_98 = vector.broadcast %sub3A_97 : i32 to vector<16xi32>
      %sub3A_99 = arith.subi %iota3A, %sub3A_98 : vector<16xi32>
      %add3A_100 = vector.broadcast %mul3A_79 : i32 to vector<16xi32>
      %add3A_101 = arith.addi %add3A_100, %mul3A_85 : vector<16xi32>
      %max3A = arith.constant 0 : i32
      %max3A_102 = vector.broadcast %max3A : i32 to vector<16xi32>
      %max3A_103 = arith.maxsi %sub3A_93, %max3A_102 : vector<16xi32>
      %add3A_104 = arith.addi %add3A_101, %max3A_103 : vector<16xi32>
      %gather3A = tpu.vector_load_idx %arg7[%add3A_104] : memref<25600xi32, #tpu.memory_space<vmem>>[vector<16xi32>], vector<16xi32>,
      %add3A_105 = vector.broadcast %mul3A_79 : i32 to vector<16xi32>
      %add3A_106 = arith.addi %add3A_105, %mul3A_85 : vector<16xi32>
      %max3A_107 = arith.constant 0 : i32
      %max3A_108 = vector.broadcast %max3A_107 : i32 to vector<16xi32>
      %max3A_109 = arith.maxsi %sub3A_96, %max3A_108 : vector<16xi32>
      %add3A_110 = arith.addi %add3A_106, %max3A_109 : vector<16xi32>
      %gather3A_111 = tpu.vector_load_idx %arg7[%add3A_110] : memref<25600xi32, #tpu.memory_space<vmem>>[vector<16xi32>], vector<16xi32>,
      %add3A_112 = vector.broadcast %mul3A_79 : i32 to vector<16xi32>
      %add3A_113 = arith.addi %add3A_112, %mul3A_85 : vector<16xi32>
      %max3A_114 = arith.constant 0 : i32
      %max3A_115 = vector.broadcast %max3A_114 : i32 to vector<16xi32>
      %max3A_116 = arith.maxsi %sub3A_99, %max3A_115 : vector<16xi32>
      %add3A_117 = arith.addi %add3A_113, %max3A_116 : vector<16xi32>
      %gather3A_118 = tpu.vector_load_idx %arg7[%add3A_117] : memref<25600xi32, #tpu.memory_space<vmem>>[vector<16xi32>], vector<16xi32>,
      %ge3A = arith.constant 0 : i32
      %ge3A_119 = vector.broadcast %ge3A : i32 to vector<16xi32>
      %ge3A_120 = arith.cmpi sge, %sub3A_93, %ge3A_119 : vector<16xi32>
      %jit3A = arith.constant 0 : i32
      %broadcast_in_dim3A = vector.broadcast %jit3A : i32 to vector<16xi32>
      %select_n3A = arith.select %ge3A_120, %gather3A, %broadcast_in_dim3A : vector<16xi1>, vector<16xi32>
      %ge3A_121 = arith.constant 0 : i32
      %ge3A_122 = vector.broadcast %ge3A_121 : i32 to vector<16xi32>
      %ge3A_123 = arith.cmpi sge, %sub3A_96, %ge3A_122 : vector<16xi32>
      %jit3A_124 = arith.constant 0 : i32
      %broadcast_in_dim3A_125 = vector.broadcast %jit3A_124 : i32 to vector<16xi32>
      %select_n3A_126 = arith.select %ge3A_123, %gather3A_111, %broadcast_in_dim3A_125 : vector<16xi1>, vector<16xi32>
      %ge3A_127 = arith.constant 0 : i32
      %ge3A_128 = vector.broadcast %ge3A_127 : i32 to vector<16xi32>
      %ge3A_129 = arith.cmpi sge, %sub3A_99, %ge3A_128 : vector<16xi32>
      %jit3A_130 = arith.constant 0 : i32
      %broadcast_in_dim3A_131 = vector.broadcast %jit3A_130 : i32 to vector<16xi32>
      %select_n3A_132 = arith.select %ge3A_129, %gather3A_118, %broadcast_in_dim3A_131 : vector<16xi1>, vector<16xi32>
      %mul3A_133 = arith.constant 17161 : i32
      %mul3A_134 = vector.broadcast %mul3A_133 : i32 to vector<16xi32>
      %mul3A_135 = arith.muli %select_n3A_132, %mul3A_134 : vector<16xi32>
      %mul3A_136 = arith.constant 131 : i32
      %mul3A_137 = vector.broadcast %mul3A_136 : i32 to vector<16xi32>
      %mul3A_138 = arith.muli %select_n3A_126, %mul3A_137 : vector<16xi32>
      %add3A_139 = arith.addi %mul3A_135, %mul3A_138 : vector<16xi32>
      %add3A_140 = arith.addi %add3A_139, %select_n3A : vector<16xi32>
      %convert_element_type3A = arith.sitofp %add3A_140 : vector<16xi32> to vector<16xf32>
      %mul3A_141 = arith.constant 4.9999926E-7 : f32
      %mul3A_142 = vector.broadcast %mul3A_141 : f32 to vector<16xf32>
      %mul3A_143 = arith.mulf %convert_element_type3A, %mul3A_142 : vector<16xf32>
      %convert_element_type3A_144 = arith.fptosi %mul3A_143 : vector<16xf32> to vector<16xi32>
      %mul3A_145 = arith.constant 2000003 : i32
      %mul3A_146 = vector.broadcast %mul3A_145 : i32 to vector<16xi32>
      %mul3A_147 = arith.muli %convert_element_type3A_144, %mul3A_146 : vector<16xi32>
      %sub3A_148 = arith.subi %add3A_140, %mul3A_147 : vector<16xi32>
      %lt3A = arith.constant 0 : i32
      %lt3A_149 = vector.broadcast %lt3A : i32 to vector<16xi32>
      %lt3A_150 = arith.cmpi slt, %sub3A_148, %lt3A_149 : vector<16xi32>
      %add3A_151 = arith.constant 2000003 : i32
      %add3A_152 = vector.broadcast %add3A_151 : i32 to vector<16xi32>
      %add3A_153 = arith.addi %sub3A_148, %add3A_152 : vector<16xi32>
      %select_n3A_154 = arith.select %lt3A_150, %add3A_153, %sub3A_148 : vector<16xi1>, vector<16xi32>
      %ge3A_155 = arith.constant 2000003 : i32
      %ge3A_156 = vector.broadcast %ge3A_155 : i32 to vector<16xi32>
      %ge3A_157 = arith.cmpi sge, %select_n3A_154, %ge3A_156 : vector<16xi32>
      %sub3A_158 = arith.constant 2000003 : i32
      %sub3A_159 = vector.broadcast %sub3A_158 : i32 to vector<16xi32>
      %sub3A_160 = arith.subi %select_n3A_154, %sub3A_159 : vector<16xi32>
      %select_n3A_161 = arith.select %ge3A_157, %sub3A_160, %select_n3A_154 : vector<16xi1>, vector<16xi32>
      %sub3A_162 = arith.constant 1 : i32
      %sub3A_163 = vector.broadcast %sub3A_162 : i32 to vector<16xi32>
      %sub3A_164 = arith.subi %iota3A, %sub3A_163 : vector<16xi32>
      %sub3A_165 = arith.constant 2 : i32
      %sub3A_166 = vector.broadcast %sub3A_165 : i32 to vector<16xi32>
      %sub3A_167 = arith.subi %iota3A, %sub3A_166 : vector<16xi32>
      %sub3A_168 = arith.constant 3 : i32
      %sub3A_169 = vector.broadcast %sub3A_168 : i32 to vector<16xi32>
      %sub3A_170 = arith.subi %iota3A, %sub3A_169 : vector<16xi32>
      %add3A_171 = vector.broadcast %mul3A_79 : i32 to vector<16xi32>
      %add3A_172 = arith.addi %add3A_171, %mul3A_91 : vector<16xi32>
      %max3A_173 = arith.constant 0 : i32
      %max3A_174 = vector.broadcast %max3A_173 : i32 to vector<16xi32>
      %max3A_175 = arith.maxsi %sub3A_164, %max3A_174 : vector<16xi32>
      %add3A_176 = arith.addi %add3A_172, %max3A_175 : vector<16xi32>
      %gather3A_177 = tpu.vector_load_idx %arg7[%add3A_176] : memref<25600xi32, #tpu.memory_space<vmem>>[vector<16xi32>], vector<16xi32>,
      %add3A_178 = vector.broadcast %mul3A_79 : i32 to vector<16xi32>
      %add3A_179 = arith.addi %add3A_178, %mul3A_91 : vector<16xi32>
      %max3A_180 = arith.constant 0 : i32
      %max3A_181 = vector.broadcast %max3A_180 : i32 to vector<16xi32>
      %max3A_182 = arith.maxsi %sub3A_167, %max3A_181 : vector<16xi32>
      %add3A_183 = arith.addi %add3A_179, %max3A_182 : vector<16xi32>
      %gather3A_184 = tpu.vector_load_idx %arg7[%add3A_183] : memref<25600xi32, #tpu.memory_space<vmem>>[vector<16xi32>], vector<16xi32>,
      %add3A_185 = vector.broadcast %mul3A_79 : i32 to vector<16xi32>
      %add3A_186 = arith.addi %add3A_185, %mul3A_91 : vector<16xi32>
      %max3A_187 = arith.constant 0 : i32
      %max3A_188 = vector.broadcast %max3A_187 : i32 to vector<16xi32>
      %max3A_189 = arith.maxsi %sub3A_170, %max3A_188 : vector<16xi32>
      %add3A_190 = arith.addi %add3A_186, %max3A_189 : vector<16xi32>
      %gather3A_191 = tpu.vector_load_idx %arg7[%add3A_190] : memref<25600xi32, #tpu.memory_space<vmem>>[vector<16xi32>], vector<16xi32>,
      %ge3A_192 = arith.constant 0 : i32
      %ge3A_193 = vector.broadcast %ge3A_192 : i32 to vector<16xi32>
      %ge3A_194 = arith.cmpi sge, %sub3A_164, %ge3A_193 : vector<16xi32>
      %jit3A_195 = arith.constant 0 : i32
      %broadcast_in_dim3A_196 = vector.broadcast %jit3A_195 : i32 to vector<16xi32>
      %select_n3A_197 = arith.select %ge3A_194, %gather3A_177, %broadcast_in_dim3A_196 : vector<16xi1>, vector<16xi32>
      %ge3A_198 = arith.constant 0 : i32
      %ge3A_199 = vector.broadcast %ge3A_198 : i32 to vector<16xi32>
      %ge3A_200 = arith.cmpi sge, %sub3A_167, %ge3A_199 : vector<16xi32>
      %jit3A_201 = arith.constant 0 : i32
      %broadcast_in_dim3A_202 = vector.broadcast %jit3A_201 : i32 to vector<16xi32>
      %select_n3A_203 = arith.select %ge3A_200, %gather3A_184, %broadcast_in_dim3A_202 : vector<16xi1>, vector<16xi32>
      %ge3A_204 = arith.constant 0 : i32
      %ge3A_205 = vector.broadcast %ge3A_204 : i32 to vector<16xi32>
      %ge3A_206 = arith.cmpi sge, %sub3A_170, %ge3A_205 : vector<16xi32>
      %jit3A_207 = arith.constant 0 : i32
      %broadcast_in_dim3A_208 = vector.broadcast %jit3A_207 : i32 to vector<16xi32>
      %select_n3A_209 = arith.select %ge3A_206, %gather3A_191, %broadcast_in_dim3A_208 : vector<16xi1>, vector<16xi32>
      %mul3A_210 = arith.constant 17161 : i32
      %mul3A_211 = vector.broadcast %mul3A_210 : i32 to vector<16xi32>
      %mul3A_212 = arith.muli %select_n3A_209, %mul3A_211 : vector<16xi32>
      %mul3A_213 = arith.constant 131 : i32
      %mul3A_214 = vector.broadcast %mul3A_213 : i32 to vector<16xi32>
      %mul3A_215 = arith.muli %select_n3A_203, %mul3A_214 : vector<16xi32>
      %add3A_216 = arith.addi %mul3A_212, %mul3A_215 : vector<16xi32>
      %add3A_217 = arith.addi %add3A_216, %select_n3A_197 : vector<16xi32>
      %convert_element_type3A_218 = arith.sitofp %add3A_217 : vector<16xi32> to vector<16xf32>
      %mul3A_219 = arith.constant 4.9999926E-7 : f32
      %mul3A_220 = vector.broadcast %mul3A_219 : f32 to vector<16xf32>
      %mul3A_221 = arith.mulf %convert_element_type3A_218, %mul3A_220 : vector<16xf32>
      %convert_element_type3A_222 = arith.fptosi %mul3A_221 : vector<16xf32> to vector<16xi32>
      %mul3A_223 = arith.constant 2000003 : i32
      %mul3A_224 = vector.broadcast %mul3A_223 : i32 to vector<16xi32>
      %mul3A_225 = arith.muli %convert_element_type3A_222, %mul3A_224 : vector<16xi32>
      %sub3A_226 = arith.subi %add3A_217, %mul3A_225 : vector<16xi32>
      %lt3A_227 = arith.constant 0 : i32
      %lt3A_228 = vector.broadcast %lt3A_227 : i32 to vector<16xi32>
      %lt3A_229 = arith.cmpi slt, %sub3A_226, %lt3A_228 : vector<16xi32>
      %add3A_230 = arith.constant 2000003 : i32
      %add3A_231 = vector.broadcast %add3A_230 : i32 to vector<16xi32>
      %add3A_232 = arith.addi %sub3A_226, %add3A_231 : vector<16xi32>
      %select_n3A_233 = arith.select %lt3A_229, %add3A_232, %sub3A_226 : vector<16xi1>, vector<16xi32>
      %ge3A_234 = arith.constant 2000003 : i32
      %ge3A_235 = vector.broadcast %ge3A_234 : i32 to vector<16xi32>
      %ge3A_236 = arith.cmpi sge, %select_n3A_233, %ge3A_235 : vector<16xi32>
      %sub3A_237 = arith.constant 2000003 : i32
      %sub3A_238 = vector.broadcast %sub3A_237 : i32 to vector<16xi32>
      %sub3A_239 = arith.subi %select_n3A_233, %sub3A_238 : vector<16xi32>
      %select_n3A_240 = arith.select %ge3A_236, %sub3A_239, %select_n3A_233 : vector<16xi1>, vector<16xi32>
      %parallel_loop3A = arith.constant 0 : i32
      %parallel_loop3A_241 = arith.constant 200 : i32
      %parallel_loop3A_242 = arith.constant 1 : i32
      %parallel_loop3A_243:7 = scf.for %parallel_loop3A_466 = %parallel_loop3A to %parallel_loop3A_241 step %parallel_loop3A_242 iter_args(%parallel_loop3A_467 = %iota3A, %parallel_loop3A_468 = %select_n3A, %parallel_loop3A_469 = %select_n3A_126, %parallel_loop3A_470 = %select_n3A_161, %parallel_loop3A_471 = %select_n3A_197, %parallel_loop3A_472 = %select_n3A_203, %parallel_loop3A_473 = %select_n3A_240) -> (vector<16xi32>, vector<16xi32>, vector<16xi32>, vector<16xi32>, vector<16xi32>, vector<16xi32>, vector<16xi32>)  : i32 {
        %parallel_loop3A_474 = arith.constant 1 : i32
        %parallel_loop3A_475 = vector.broadcast %parallel_loop3A_474 : i32 to vector<16xi32>
        %parallel_loop3A_476 = arith.addi %parallel_loop3A_467, %parallel_loop3A_475 : vector<16xi32>
        %parallel_loop3A_477 = arith.constant 200 : i32
        %parallel_loop3A_478 = vector.broadcast %parallel_loop3A_477 : i32 to vector<16xi32>
        %parallel_loop3A_479 = arith.cmpi sge, %parallel_loop3A_476, %parallel_loop3A_478 : vector<16xi32>
        %parallel_loop3A_480 = arith.constant 200 : i32
        %parallel_loop3A_481 = vector.broadcast %parallel_loop3A_480 : i32 to vector<16xi32>
        %parallel_loop3A_482 = arith.subi %parallel_loop3A_476, %parallel_loop3A_481 : vector<16xi32>
        %parallel_loop3A_483 = arith.select %parallel_loop3A_479, %parallel_loop3A_482, %parallel_loop3A_476 : vector<16xi1>, vector<16xi32>
        %parallel_loop3A_484 = arith.addi %mul3A_85, %parallel_loop3A_467 : vector<16xi32>
        %parallel_loop3A_485 = vector.broadcast %mul3A_79 : i32 to vector<16xi32>
        %parallel_loop3A_486 = arith.addi %parallel_loop3A_485, %parallel_loop3A_484 : vector<16xi32>
        %parallel_loop3A_487 = tpu.vector_load_idx %arg7[%parallel_loop3A_486] : memref<25600xi32, #tpu.memory_space<vmem>>[vector<16xi32>], vector<16xi32>,
        %parallel_loop3A_488 = arith.constant 131 : i32
        %parallel_loop3A_489 = vector.broadcast %parallel_loop3A_488 : i32 to vector<16xi32>
        %parallel_loop3A_490 = arith.muli %parallel_loop3A_468, %parallel_loop3A_489 : vector<16xi32>
        %parallel_loop3A_491 = arith.addi %parallel_loop3A_490, %parallel_loop3A_487 : vector<16xi32>
        %parallel_loop3A_492 = arith.sitofp %parallel_loop3A_491 : vector<16xi32> to vector<16xf32>
        %parallel_loop3A_493 = arith.constant 4.9999926E-7 : f32
        %parallel_loop3A_494 = vector.broadcast %parallel_loop3A_493 : f32 to vector<16xf32>
        %parallel_loop3A_495 = arith.mulf %parallel_loop3A_492, %parallel_loop3A_494 : vector<16xf32>
        %parallel_loop3A_496 = arith.fptosi %parallel_loop3A_495 : vector<16xf32> to vector<16xi32>
        %parallel_loop3A_497 = arith.constant 2000003 : i32
        %parallel_loop3A_498 = vector.broadcast %parallel_loop3A_497 : i32 to vector<16xi32>
        %parallel_loop3A_499 = arith.muli %parallel_loop3A_496, %parallel_loop3A_498 : vector<16xi32>
        %parallel_loop3A_500 = arith.subi %parallel_loop3A_491, %parallel_loop3A_499 : vector<16xi32>
        %parallel_loop3A_501 = arith.constant 0 : i32
        %parallel_loop3A_502 = vector.broadcast %parallel_loop3A_501 : i32 to vector<16xi32>
        %parallel_loop3A_503 = arith.cmpi slt, %parallel_loop3A_500, %parallel_loop3A_502 : vector<16xi32>
        %parallel_loop3A_504 = arith.constant 2000003 : i32
        %parallel_loop3A_505 = vector.broadcast %parallel_loop3A_504 : i32 to vector<16xi32>
        %parallel_loop3A_506 = arith.addi %parallel_loop3A_500, %parallel_loop3A_505 : vector<16xi32>
        %parallel_loop3A_507 = arith.select %parallel_loop3A_503, %parallel_loop3A_506, %parallel_loop3A_500 : vector<16xi1>, vector<16xi32>
        %parallel_loop3A_508 = arith.constant 2000003 : i32
        %parallel_loop3A_509 = vector.broadcast %parallel_loop3A_508 : i32 to vector<16xi32>
        %parallel_loop3A_510 = arith.cmpi sge, %parallel_loop3A_507, %parallel_loop3A_509 : vector<16xi32>
        %parallel_loop3A_511 = arith.constant 2000003 : i32
        %parallel_loop3A_512 = vector.broadcast %parallel_loop3A_511 : i32 to vector<16xi32>
        %parallel_loop3A_513 = arith.subi %parallel_loop3A_507, %parallel_loop3A_512 : vector<16xi32>
        %parallel_loop3A_514 = arith.select %parallel_loop3A_510, %parallel_loop3A_513, %parallel_loop3A_507 : vector<16xi1>, vector<16xi32>
        %parallel_loop3A_515 = arith.constant 17161 : i32
        %parallel_loop3A_516 = vector.broadcast %parallel_loop3A_515 : i32 to vector<16xi32>
        %parallel_loop3A_517 = arith.muli %parallel_loop3A_469, %parallel_loop3A_516 : vector<16xi32>
        %parallel_loop3A_518 = arith.addi %parallel_loop3A_517, %parallel_loop3A_491 : vector<16xi32>
        %parallel_loop3A_519 = arith.sitofp %parallel_loop3A_518 : vector<16xi32> to vector<16xf32>
        %parallel_loop3A_520 = arith.constant 4.9999926E-7 : f32
        %parallel_loop3A_521 = vector.broadcast %parallel_loop3A_520 : f32 to vector<16xf32>
        %parallel_loop3A_522 = arith.mulf %parallel_loop3A_519, %parallel_loop3A_521 : vector<16xf32>
        %parallel_loop3A_523 = arith.fptosi %parallel_loop3A_522 : vector<16xf32> to vector<16xi32>
        %parallel_loop3A_524 = arith.constant 2000003 : i32
        %parallel_loop3A_525 = vector.broadcast %parallel_loop3A_524 : i32 to vector<16xi32>
        %parallel_loop3A_526 = arith.muli %parallel_loop3A_523, %parallel_loop3A_525 : vector<16xi32>
        %parallel_loop3A_527 = arith.subi %parallel_loop3A_518, %parallel_loop3A_526 : vector<16xi32>
        %parallel_loop3A_528 = arith.constant 0 : i32
        %parallel_loop3A_529 = vector.broadcast %parallel_loop3A_528 : i32 to vector<16xi32>
        %parallel_loop3A_530 = arith.cmpi slt, %parallel_loop3A_527, %parallel_loop3A_529 : vector<16xi32>
        %parallel_loop3A_531 = arith.constant 2000003 : i32
        %parallel_loop3A_532 = vector.broadcast %parallel_loop3A_531 : i32 to vector<16xi32>
        %parallel_loop3A_533 = arith.addi %parallel_loop3A_527, %parallel_loop3A_532 : vector<16xi32>
        %parallel_loop3A_534 = arith.select %parallel_loop3A_530, %parallel_loop3A_533, %parallel_loop3A_527 : vector<16xi1>, vector<16xi32>
        %parallel_loop3A_535 = arith.constant 2000003 : i32
        %parallel_loop3A_536 = vector.broadcast %parallel_loop3A_535 : i32 to vector<16xi32>
        %parallel_loop3A_537 = arith.cmpi sge, %parallel_loop3A_534, %parallel_loop3A_536 : vector<16xi32>
        %parallel_loop3A_538 = arith.constant 2000003 : i32
        %parallel_loop3A_539 = vector.broadcast %parallel_loop3A_538 : i32 to vector<16xi32>
        %parallel_loop3A_540 = arith.subi %parallel_loop3A_534, %parallel_loop3A_539 : vector<16xi32>
        %parallel_loop3A_541 = arith.select %parallel_loop3A_537, %parallel_loop3A_540, %parallel_loop3A_534 : vector<16xi1>, vector<16xi32>
        %parallel_loop3A_542 = arith.constant 131 : i32
        %parallel_loop3A_543 = vector.broadcast %parallel_loop3A_542 : i32 to vector<16xi32>
        %parallel_loop3A_544 = arith.muli %parallel_loop3A_470, %parallel_loop3A_543 : vector<16xi32>
        %parallel_loop3A_545 = arith.addi %parallel_loop3A_544, %parallel_loop3A_487 : vector<16xi32>
        %parallel_loop3A_546 = arith.sitofp %parallel_loop3A_545 : vector<16xi32> to vector<16xf32>
        %parallel_loop3A_547 = arith.constant 4.9999926E-7 : f32
        %parallel_loop3A_548 = vector.broadcast %parallel_loop3A_547 : f32 to vector<16xf32>
        %parallel_loop3A_549 = arith.mulf %parallel_loop3A_546, %parallel_loop3A_548 : vector<16xf32>
        %parallel_loop3A_550 = arith.fptosi %parallel_loop3A_549 : vector<16xf32> to vector<16xi32>
        %parallel_loop3A_551 = arith.constant 2000003 : i32
        %parallel_loop3A_552 = vector.broadcast %parallel_loop3A_551 : i32 to vector<16xi32>
        %parallel_loop3A_553 = arith.muli %parallel_loop3A_550, %parallel_loop3A_552 : vector<16xi32>
        %parallel_loop3A_554 = arith.subi %parallel_loop3A_545, %parallel_loop3A_553 : vector<16xi32>
        %parallel_loop3A_555 = arith.constant 0 : i32
        %parallel_loop3A_556 = vector.broadcast %parallel_loop3A_555 : i32 to vector<16xi32>
        %parallel_loop3A_557 = arith.cmpi slt, %parallel_loop3A_554, %parallel_loop3A_556 : vector<16xi32>
        %parallel_loop3A_558 = arith.constant 2000003 : i32
        %parallel_loop3A_559 = vector.broadcast %parallel_loop3A_558 : i32 to vector<16xi32>
        %parallel_loop3A_560 = arith.addi %parallel_loop3A_554, %parallel_loop3A_559 : vector<16xi32>
        %parallel_loop3A_561 = arith.select %parallel_loop3A_557, %parallel_loop3A_560, %parallel_loop3A_554 : vector<16xi1>, vector<16xi32>
        %parallel_loop3A_562 = arith.constant 2000003 : i32
        %parallel_loop3A_563 = vector.broadcast %parallel_loop3A_562 : i32 to vector<16xi32>
        %parallel_loop3A_564 = arith.cmpi sge, %parallel_loop3A_561, %parallel_loop3A_563 : vector<16xi32>
        %parallel_loop3A_565 = arith.constant 2000003 : i32
        %parallel_loop3A_566 = vector.broadcast %parallel_loop3A_565 : i32 to vector<16xi32>
        %parallel_loop3A_567 = arith.subi %parallel_loop3A_561, %parallel_loop3A_566 : vector<16xi32>
        %parallel_loop3A_568 = arith.select %parallel_loop3A_564, %parallel_loop3A_567, %parallel_loop3A_561 : vector<16xi1>, vector<16xi32>
        tpu.vector_store_idx %arg8[%parallel_loop3A_484], %parallel_loop3A_514 : memref<6400xi32, #tpu.memory_space<vmem>>[vector<16xi32>], vector<16xi32>,
        tpu.vector_store_idx %arg9[%parallel_loop3A_484], %parallel_loop3A_541 : memref<6400xi32, #tpu.memory_space<vmem>>[vector<16xi32>], vector<16xi32>,
        tpu.vector_store_idx %arg10[%parallel_loop3A_484], %parallel_loop3A_568 : memref<6400xi32, #tpu.memory_space<vmem>>[vector<16xi32>], vector<16xi32>,
        %parallel_loop3A_569 = arith.constant 0 : i32
        %parallel_loop3A_570 = vector.broadcast %parallel_loop3A_569 : i32 to vector<16xi32>
        %parallel_loop3A_571 = arith.select %parallel_loop3A_479, %parallel_loop3A_570, %parallel_loop3A_487 : vector<16xi1>, vector<16xi32>
        %parallel_loop3A_572 = arith.constant 0 : i32
        %parallel_loop3A_573 = vector.broadcast %parallel_loop3A_572 : i32 to vector<16xi32>
        %parallel_loop3A_574 = arith.select %parallel_loop3A_479, %parallel_loop3A_573, %parallel_loop3A_468 : vector<16xi1>, vector<16xi32>
        %parallel_loop3A_575 = arith.constant 0 : i32
        %parallel_loop3A_576 = vector.broadcast %parallel_loop3A_575 : i32 to vector<16xi32>
        %parallel_loop3A_577 = arith.select %parallel_loop3A_479, %parallel_loop3A_576, %parallel_loop3A_541 : vector<16xi1>, vector<16xi32>
        %parallel_loop3A_578 = arith.addi %mul3A_91, %parallel_loop3A_467 : vector<16xi32>
        %parallel_loop3A_579 = vector.broadcast %mul3A_79 : i32 to vector<16xi32>
        %parallel_loop3A_580 = arith.addi %parallel_loop3A_579, %parallel_loop3A_578 : vector<16xi32>
        %parallel_loop3A_581 = tpu.vector_load_idx %arg7[%parallel_loop3A_580] : memref<25600xi32, #tpu.memory_space<vmem>>[vector<16xi32>], vector<16xi32>,
        %parallel_loop3A_582 = arith.constant 131 : i32
        %parallel_loop3A_583 = vector.broadcast %parallel_loop3A_582 : i32 to vector<16xi32>
        %parallel_loop3A_584 = arith.muli %parallel_loop3A_471, %parallel_loop3A_583 : vector<16xi32>
        %parallel_loop3A_585 = arith.addi %parallel_loop3A_584, %parallel_loop3A_581 : vector<16xi32>
        %parallel_loop3A_586 = arith.sitofp %parallel_loop3A_585 : vector<16xi32> to vector<16xf32>
        %parallel_loop3A_587 = arith.constant 4.9999926E-7 : f32
        %parallel_loop3A_588 = vector.broadcast %parallel_loop3A_587 : f32 to vector<16xf32>
        %parallel_loop3A_589 = arith.mulf %parallel_loop3A_586, %parallel_loop3A_588 : vector<16xf32>
        %parallel_loop3A_590 = arith.fptosi %parallel_loop3A_589 : vector<16xf32> to vector<16xi32>
        %parallel_loop3A_591 = arith.constant 2000003 : i32
        %parallel_loop3A_592 = vector.broadcast %parallel_loop3A_591 : i32 to vector<16xi32>
        %parallel_loop3A_593 = arith.muli %parallel_loop3A_590, %parallel_loop3A_592 : vector<16xi32>
        %parallel_loop3A_594 = arith.subi %parallel_loop3A_585, %parallel_loop3A_593 : vector<16xi32>
        %parallel_loop3A_595 = arith.constant 0 : i32
        %parallel_loop3A_596 = vector.broadcast %parallel_loop3A_595 : i32 to vector<16xi32>
        %parallel_loop3A_597 = arith.cmpi slt, %parallel_loop3A_594, %parallel_loop3A_596 : vector<16xi32>
        %parallel_loop3A_598 = arith.constant 2000003 : i32
        %parallel_loop3A_599 = vector.broadcast %parallel_loop3A_598 : i32 to vector<16xi32>
        %parallel_loop3A_600 = arith.addi %parallel_loop3A_594, %parallel_loop3A_599 : vector<16xi32>
        %parallel_loop3A_601 = arith.select %parallel_loop3A_597, %parallel_loop3A_600, %parallel_loop3A_594 : vector<16xi1>, vector<16xi32>
        %parallel_loop3A_602 = arith.constant 2000003 : i32
        %parallel_loop3A_603 = vector.broadcast %parallel_loop3A_602 : i32 to vector<16xi32>
        %parallel_loop3A_604 = arith.cmpi sge, %parallel_loop3A_601, %parallel_loop3A_603 : vector<16xi32>
        %parallel_loop3A_605 = arith.constant 2000003 : i32
        %parallel_loop3A_606 = vector.broadcast %parallel_loop3A_605 : i32 to vector<16xi32>
        %parallel_loop3A_607 = arith.subi %parallel_loop3A_601, %parallel_loop3A_606 : vector<16xi32>
        %parallel_loop3A_608 = arith.select %parallel_loop3A_604, %parallel_loop3A_607, %parallel_loop3A_601 : vector<16xi1>, vector<16xi32>
        %parallel_loop3A_609 = arith.constant 17161 : i32
        %parallel_loop3A_610 = vector.broadcast %parallel_loop3A_609 : i32 to vector<16xi32>
        %parallel_loop3A_611 = arith.muli %parallel_loop3A_472, %parallel_loop3A_610 : vector<16xi32>
        %parallel_loop3A_612 = arith.addi %parallel_loop3A_611, %parallel_loop3A_585 : vector<16xi32>
        %parallel_loop3A_613 = arith.sitofp %parallel_loop3A_612 : vector<16xi32> to vector<16xf32>
        %parallel_loop3A_614 = arith.constant 4.9999926E-7 : f32
        %parallel_loop3A_615 = vector.broadcast %parallel_loop3A_614 : f32 to vector<16xf32>
        %parallel_loop3A_616 = arith.mulf %parallel_loop3A_613, %parallel_loop3A_615 : vector<16xf32>
        %parallel_loop3A_617 = arith.fptosi %parallel_loop3A_616 : vector<16xf32> to vector<16xi32>
        %parallel_loop3A_618 = arith.constant 2000003 : i32
        %parallel_loop3A_619 = vector.broadcast %parallel_loop3A_618 : i32 to vector<16xi32>
        %parallel_loop3A_620 = arith.muli %parallel_loop3A_617, %parallel_loop3A_619 : vector<16xi32>
        %parallel_loop3A_621 = arith.subi %parallel_loop3A_612, %parallel_loop3A_620 : vector<16xi32>
        %parallel_loop3A_622 = arith.constant 0 : i32
        %parallel_loop3A_623 = vector.broadcast %parallel_loop3A_622 : i32 to vector<16xi32>
        %parallel_loop3A_624 = arith.cmpi slt, %parallel_loop3A_621, %parallel_loop3A_623 : vector<16xi32>
        %parallel_loop3A_625 = arith.constant 2000003 : i32
        %parallel_loop3A_626 = vector.broadcast %parallel_loop3A_625 : i32 to vector<16xi32>
        %parallel_loop3A_627 = arith.addi %parallel_loop3A_621, %parallel_loop3A_626 : vector<16xi32>
        %parallel_loop3A_628 = arith.select %parallel_loop3A_624, %parallel_loop3A_627, %parallel_loop3A_621 : vector<16xi1>, vector<16xi32>
        %parallel_loop3A_629 = arith.constant 2000003 : i32
        %parallel_loop3A_630 = vector.broadcast %parallel_loop3A_629 : i32 to vector<16xi32>
        %parallel_loop3A_631 = arith.cmpi sge, %parallel_loop3A_628, %parallel_loop3A_630 : vector<16xi32>
        %parallel_loop3A_632 = arith.constant 2000003 : i32
        %parallel_loop3A_633 = vector.broadcast %parallel_loop3A_632 : i32 to vector<16xi32>
        %parallel_loop3A_634 = arith.subi %parallel_loop3A_628, %parallel_loop3A_633 : vector<16xi32>
        %parallel_loop3A_635 = arith.select %parallel_loop3A_631, %parallel_loop3A_634, %parallel_loop3A_628 : vector<16xi1>, vector<16xi32>
        %parallel_loop3A_636 = arith.constant 131 : i32
        %parallel_loop3A_637 = vector.broadcast %parallel_loop3A_636 : i32 to vector<16xi32>
        %parallel_loop3A_638 = arith.muli %parallel_loop3A_473, %parallel_loop3A_637 : vector<16xi32>
        %parallel_loop3A_639 = arith.addi %parallel_loop3A_638, %parallel_loop3A_581 : vector<16xi32>
        %parallel_loop3A_640 = arith.sitofp %parallel_loop3A_639 : vector<16xi32> to vector<16xf32>
        %parallel_loop3A_641 = arith.constant 4.9999926E-7 : f32
        %parallel_loop3A_642 = vector.broadcast %parallel_loop3A_641 : f32 to vector<16xf32>
        %parallel_loop3A_643 = arith.mulf %parallel_loop3A_640, %parallel_loop3A_642 : vector<16xf32>
        %parallel_loop3A_644 = arith.fptosi %parallel_loop3A_643 : vector<16xf32> to vector<16xi32>
        %parallel_loop3A_645 = arith.constant 2000003 : i32
        %parallel_loop3A_646 = vector.broadcast %parallel_loop3A_645 : i32 to vector<16xi32>
        %parallel_loop3A_647 = arith.muli %parallel_loop3A_644, %parallel_loop3A_646 : vector<16xi32>
        %parallel_loop3A_648 = arith.subi %parallel_loop3A_639, %parallel_loop3A_647 : vector<16xi32>
        %parallel_loop3A_649 = arith.constant 0 : i32
        %parallel_loop3A_650 = vector.broadcast %parallel_loop3A_649 : i32 to vector<16xi32>
        %parallel_loop3A_651 = arith.cmpi slt, %parallel_loop3A_648, %parallel_loop3A_650 : vector<16xi32>
        %parallel_loop3A_652 = arith.constant 2000003 : i32
        %parallel_loop3A_653 = vector.broadcast %parallel_loop3A_652 : i32 to vector<16xi32>
        %parallel_loop3A_654 = arith.addi %parallel_loop3A_648, %parallel_loop3A_653 : vector<16xi32>
        %parallel_loop3A_655 = arith.select %parallel_loop3A_651, %parallel_loop3A_654, %parallel_loop3A_648 : vector<16xi1>, vector<16xi32>
        %parallel_loop3A_656 = arith.constant 2000003 : i32
        %parallel_loop3A_657 = vector.broadcast %parallel_loop3A_656 : i32 to vector<16xi32>
        %parallel_loop3A_658 = arith.cmpi sge, %parallel_loop3A_655, %parallel_loop3A_657 : vector<16xi32>
        %parallel_loop3A_659 = arith.constant 2000003 : i32
        %parallel_loop3A_660 = vector.broadcast %parallel_loop3A_659 : i32 to vector<16xi32>
        %parallel_loop3A_661 = arith.subi %parallel_loop3A_655, %parallel_loop3A_660 : vector<16xi32>
        %parallel_loop3A_662 = arith.select %parallel_loop3A_658, %parallel_loop3A_661, %parallel_loop3A_655 : vector<16xi1>, vector<16xi32>
        tpu.vector_store_idx %arg8[%parallel_loop3A_578], %parallel_loop3A_608 : memref<6400xi32, #tpu.memory_space<vmem>>[vector<16xi32>], vector<16xi32>,
        tpu.vector_store_idx %arg9[%parallel_loop3A_578], %parallel_loop3A_635 : memref<6400xi32, #tpu.memory_space<vmem>>[vector<16xi32>], vector<16xi32>,
        tpu.vector_store_idx %arg10[%parallel_loop3A_578], %parallel_loop3A_662 : memref<6400xi32, #tpu.memory_space<vmem>>[vector<16xi32>], vector<16xi32>,
        %parallel_loop3A_663 = arith.constant 0 : i32
        %parallel_loop3A_664 = vector.broadcast %parallel_loop3A_663 : i32 to vector<16xi32>
        %parallel_loop3A_665 = arith.select %parallel_loop3A_479, %parallel_loop3A_664, %parallel_loop3A_581 : vector<16xi1>, vector<16xi32>
        %parallel_loop3A_666 = arith.constant 0 : i32
        %parallel_loop3A_667 = vector.broadcast %parallel_loop3A_666 : i32 to vector<16xi32>
        %parallel_loop3A_668 = arith.select %parallel_loop3A_479, %parallel_loop3A_667, %parallel_loop3A_471 : vector<16xi1>, vector<16xi32>
        %parallel_loop3A_669 = arith.constant 0 : i32
        %parallel_loop3A_670 = vector.broadcast %parallel_loop3A_669 : i32 to vector<16xi32>
        %parallel_loop3A_671 = arith.select %parallel_loop3A_479, %parallel_loop3A_670, %parallel_loop3A_635 : vector<16xi1>, vector<16xi32>
        scf.yield %parallel_loop3A_483, %parallel_loop3A_571, %parallel_loop3A_574, %parallel_loop3A_577, %parallel_loop3A_665, %parallel_loop3A_668, %parallel_loop3A_671 : vector<16xi32>, vector<16xi32>, vector<16xi32>, vector<16xi32>, vector<16xi32>, vector<16xi32>, vector<16xi32>
      } {sc.loop_unroll_factor = 2 : i64, sc.parallel_access}
      %gt3A = arith.constant 0 : i32
      %gt3A_244 = arith.cmpi sgt, %scan3A_71, %gt3A : i32
      %convert_element_type3A_245 = arith.extui %gt3A_244 : i1 to i32
      %cond3A = arith.constant 0 : i32
      %cond3A_246 = arith.cmpi ne, %convert_element_type3A_245, %cond3A : i32
      scf.if %cond3A_246 {
        %sub3A_466 = arith.constant 2 : i32
        %sub3A_467 = arith.subi %mul3A_73, %sub3A_466 : i32
        %mul3A_468 = arith.constant 128 : i32
        %mul3A_469 = arith.muli %add3A, %mul3A_468 : i32
        %mul3A_470 = arith.constant 32 : i32
        %mul3A_471 = arith.muli %sub3A_467, %mul3A_470 : i32
        %add3A_472 = arith.addi %mul3A_469, %mul3A_471 : i32
        %mul3A_473 = arith.constant 200 : i32
        %mul3A_474 = arith.muli %add3A_472, %mul3A_473 : i32
        %multiple_of3A_475 = tpu.assume_multiple %mul3A_474, 256 : i32
        %add3A_476 = arith.constant 0 : i32
        %add3A_477 = arith.addi %add3A_476, %multiple_of3A_475 : i32
        %add3A_478 = arith.constant 819200 : i32
        %add3A_479 = arith.addi %add3A_478, %multiple_of3A_475 : i32
        %add3A_480 = arith.constant 1638400 : i32
        %add3A_481 = arith.addi %add3A_480, %multiple_of3A_475 : i32
        %dma_wait3A_482 = tpu.memref_slice %arg6[%add3A_477] : memref<2457600xf32, #tpu.memory_space<hbm>> -> memref<6400xf32, #tpu.memory_space<hbm>>
        %dma_wait3A_483 = tpu.memref_slice %arg6[%add3A_477] : memref<2457600xf32, #tpu.memory_space<hbm>> -> memref<6400xf32, #tpu.memory_space<hbm>>
        tpu.wait_dma2 semaphore(%arg22 : memref<!tpu.dma_semaphore, #tpu.memory_space<semaphore_mem>>) src(%arg11 : memref<6400xf32, #tpu.memory_space<vmem>>) dst(%dma_wait3A_483 : memref<6400xf32, #tpu.memory_space<hbm>>)
        %dma_wait3A_484 = tpu.memref_slice %arg6[%add3A_479] : memref<2457600xf32, #tpu.memory_space<hbm>> -> memref<6400xf32, #tpu.memory_space<hbm>>
        %dma_wait3A_485 = tpu.memref_slice %arg6[%add3A_479] : memref<2457600xf32, #tpu.memory_space<hbm>> -> memref<6400xf32, #tpu.memory_space<hbm>>
        tpu.wait_dma2 semaphore(%arg22 : memref<!tpu.dma_semaphore, #tpu.memory_space<semaphore_mem>>) src(%arg12 : memref<6400xf32, #tpu.memory_space<vmem>>) dst(%dma_wait3A_485 : memref<6400xf32, #tpu.memory_space<hbm>>)
        %dma_wait3A_486 = tpu.memref_slice %arg6[%add3A_481] : memref<2457600xf32, #tpu.memory_space<hbm>> -> memref<6400xf32, #tpu.memory_space<hbm>>
        %dma_wait3A_487 = tpu.memref_slice %arg6[%add3A_481] : memref<2457600xf32, #tpu.memory_space<hbm>> -> memref<6400xf32, #tpu.memory_space<hbm>>
        tpu.wait_dma2 semaphore(%arg22 : memref<!tpu.dma_semaphore, #tpu.memory_space<semaphore_mem>>) src(%arg13 : memref<6400xf32, #tpu.memory_space<vmem>>) dst(%dma_wait3A_487 : memref<6400xf32, #tpu.memory_space<hbm>>)
      } else {
      }
      %dma_start3A_247 = arith.constant 0 : i32
      %dma_start3A_248 = tpu.memref_slice %arg3[%dma_start3A_247] : memref<2000003xf32, #tpu.memory_space<hbm>> -> memref<2000003xf32, #tpu.memory_space<hbm>>
      tpu.enqueue_indirect_dma source(%dma_start3A_248 : memref<2000003xf32, #tpu.memory_space<hbm>>) target(%arg11 : memref<6400xf32, #tpu.memory_space<vmem>>) offsets(%arg8 : memref<6400xi32, #tpu.memory_space<vmem>>) semaphore(%arg20 : memref<!tpu.dma_semaphore, #tpu.memory_space<semaphore_mem>>)
      %dma_start3A_249 = arith.constant 0 : i32
      %dma_start3A_250 = tpu.memref_slice %arg4[%dma_start3A_249] : memref<2000003xf32, #tpu.memory_space<hbm>> -> memref<2000003xf32, #tpu.memory_space<hbm>>
      tpu.enqueue_indirect_dma source(%dma_start3A_250 : memref<2000003xf32, #tpu.memory_space<hbm>>) target(%arg12 : memref<6400xf32, #tpu.memory_space<vmem>>) offsets(%arg9 : memref<6400xi32, #tpu.memory_space<vmem>>) semaphore(%arg20 : memref<!tpu.dma_semaphore, #tpu.memory_space<semaphore_mem>>)
      %dma_start3A_251 = arith.constant 0 : i32
      %dma_start3A_252 = tpu.memref_slice %arg5[%dma_start3A_251] : memref<2000003xf32, #tpu.memory_space<hbm>> -> memref<2000003xf32, #tpu.memory_space<hbm>>
      tpu.enqueue_indirect_dma source(%dma_start3A_252 : memref<2000003xf32, #tpu.memory_space<hbm>>) target(%arg13 : memref<6400xf32, #tpu.memory_space<vmem>>) offsets(%arg10 : memref<6400xi32, #tpu.memory_space<vmem>>) semaphore(%arg20 : memref<!tpu.dma_semaphore, #tpu.memory_space<semaphore_mem>>)
      %mul3A_253 = arith.constant 6400 : i32
      %mul3A_254 = arith.muli %add3A_77, %mul3A_253 : i32
      %add3A_255 = arith.constant 0 : i32
      %add3A_256 = vector.broadcast %add3A_255 : i32 to vector<16xi32>
      %add3A_257 = arith.addi %iota3A, %add3A_256 : vector<16xi32>
      %mul3A_258 = arith.constant 200 : i32
      %mul3A_259 = vector.broadcast %mul3A_258 : i32 to vector<16xi32>
      %mul3A_260 = arith.muli %add3A_257, %mul3A_259 : vector<16xi32>
      %add3A_261 = arith.constant 16 : i32
      %add3A_262 = vector.broadcast %add3A_261 : i32 to vector<16xi32>
      %add3A_263 = arith.addi %iota3A, %add3A_262 : vector<16xi32>
      %mul3A_264 = arith.constant 200 : i32
      %mul3A_265 = vector.broadcast %mul3A_264 : i32 to vector<16xi32>
      %mul3A_266 = arith.muli %add3A_263, %mul3A_265 : vector<16xi32>
      %sub3A_267 = arith.constant 1 : i32
      %sub3A_268 = vector.broadcast %sub3A_267 : i32 to vector<16xi32>
      %sub3A_269 = arith.subi %iota3A, %sub3A_268 : vector<16xi32>
      %sub3A_270 = arith.constant 2 : i32
      %sub3A_271 = vector.broadcast %sub3A_270 : i32 to vector<16xi32>
      %sub3A_272 = arith.subi %iota3A, %sub3A_271 : vector<16xi32>
      %sub3A_273 = arith.constant 3 : i32
      %sub3A_274 = vector.broadcast %sub3A_273 : i32 to vector<16xi32>
      %sub3A_275 = arith.subi %iota3A, %sub3A_274 : vector<16xi32>
      %add3A_276 = vector.broadcast %mul3A_254 : i32 to vector<16xi32>
      %add3A_277 = arith.addi %add3A_276, %mul3A_260 : vector<16xi32>
      %max3A_278 = arith.constant 0 : i32
      %max3A_279 = vector.broadcast %max3A_278 : i32 to vector<16xi32>
      %max3A_280 = arith.maxsi %sub3A_269, %max3A_279 : vector<16xi32>
      %add3A_281 = arith.addi %add3A_277, %max3A_280 : vector<16xi32>
      %gather3A_282 = tpu.vector_load_idx %arg7[%add3A_281] : memref<25600xi32, #tpu.memory_space<vmem>>[vector<16xi32>], vector<16xi32>,
      %add3A_283 = vector.broadcast %mul3A_254 : i32 to vector<16xi32>
      %add3A_284 = arith.addi %add3A_283, %mul3A_260 : vector<16xi32>
      %max3A_285 = arith.constant 0 : i32
      %max3A_286 = vector.broadcast %max3A_285 : i32 to vector<16xi32>
      %max3A_287 = arith.maxsi %sub3A_272, %max3A_286 : vector<16xi32>
      %add3A_288 = arith.addi %add3A_284, %max3A_287 : vector<16xi32>
      %gather3A_289 = tpu.vector_load_idx %arg7[%add3A_288] : memref<25600xi32, #tpu.memory_space<vmem>>[vector<16xi32>], vector<16xi32>,
      %add3A_290 = vector.broadcast %mul3A_254 : i32 to vector<16xi32>
      %add3A_291 = arith.addi %add3A_290, %mul3A_260 : vector<16xi32>
      %max3A_292 = arith.constant 0 : i32
      %max3A_293 = vector.broadcast %max3A_292 : i32 to vector<16xi32>
      %max3A_294 = arith.maxsi %sub3A_275, %max3A_293 : vector<16xi32>
      %add3A_295 = arith.addi %add3A_291, %max3A_294 : vector<16xi32>
      %gather3A_296 = tpu.vector_load_idx %arg7[%add3A_295] : memref<25600xi32, #tpu.memory_space<vmem>>[vector<16xi32>], vector<16xi32>,
      %ge3A_297 = arith.constant 0 : i32
      %ge3A_298 = vector.broadcast %ge3A_297 : i32 to vector<16xi32>
      %ge3A_299 = arith.cmpi sge, %sub3A_269, %ge3A_298 : vector<16xi32>
      %jit3A_300 = arith.constant 0 : i32
      %broadcast_in_dim3A_301 = vector.broadcast %jit3A_300 : i32 to vector<16xi32>
      %select_n3A_302 = arith.select %ge3A_299, %gather3A_282, %broadcast_in_dim3A_301 : vector<16xi1>, vector<16xi32>
      %ge3A_303 = arith.constant 0 : i32
      %ge3A_304 = vector.broadcast %ge3A_303 : i32 to vector<16xi32>
      %ge3A_305 = arith.cmpi sge, %sub3A_272, %ge3A_304 : vector<16xi32>
      %jit3A_306 = arith.constant 0 : i32
      %broadcast_in_dim3A_307 = vector.broadcast %jit3A_306 : i32 to vector<16xi32>
      %select_n3A_308 = arith.select %ge3A_305, %gather3A_289, %broadcast_in_dim3A_307 : vector<16xi1>, vector<16xi32>
      %ge3A_309 = arith.constant 0 : i32
      %ge3A_310 = vector.broadcast %ge3A_309 : i32 to vector<16xi32>
      %ge3A_311 = arith.cmpi sge, %sub3A_275, %ge3A_310 : vector<16xi32>
      %jit3A_312 = arith.constant 0 : i32
      %broadcast_in_dim3A_313 = vector.broadcast %jit3A_312 : i32 to vector<16xi32>
      %select_n3A_314 = arith.select %ge3A_311, %gather3A_296, %broadcast_in_dim3A_313 : vector<16xi1>, vector<16xi32>
      %mul3A_315 = arith.constant 17161 : i32
      %mul3A_316 = vector.broadcast %mul3A_315 : i32 to vector<16xi32>
      %mul3A_317 = arith.muli %select_n3A_314, %mul3A_316 : vector<16xi32>
      %mul3A_318 = arith.constant 131 : i32
      %mul3A_319 = vector.broadcast %mul3A_318 : i32 to vector<16xi32>
      %mul3A_320 = arith.muli %select_n3A_308, %mul3A_319 : vector<16xi32>
      %add3A_321 = arith.addi %mul3A_317, %mul3A_320 : vector<16xi32>
      %add3A_322 = arith.addi %add3A_321, %select_n3A_302 : vector<16xi32>
      %convert_element_type3A_323 = arith.sitofp %add3A_322 : vector<16xi32> to vector<16xf32>
      %mul3A_324 = arith.constant 4.9999926E-7 : f32
      %mul3A_325 = vector.broadcast %mul3A_324 : f32 to vector<16xf32>
      %mul3A_326 = arith.mulf %convert_element_type3A_323, %mul3A_325 : vector<16xf32>
      %convert_element_type3A_327 = arith.fptosi %mul3A_326 : vector<16xf32> to vector<16xi32>
      %mul3A_328 = arith.constant 2000003 : i32
      %mul3A_329 = vector.broadcast %mul3A_328 : i32 to vector<16xi32>
      %mul3A_330 = arith.muli %convert_element_type3A_327, %mul3A_329 : vector<16xi32>
      %sub3A_331 = arith.subi %add3A_322, %mul3A_330 : vector<16xi32>
      %lt3A_332 = arith.constant 0 : i32
      %lt3A_333 = vector.broadcast %lt3A_332 : i32 to vector<16xi32>
      %lt3A_334 = arith.cmpi slt, %sub3A_331, %lt3A_333 : vector<16xi32>
      %add3A_335 = arith.constant 2000003 : i32
      %add3A_336 = vector.broadcast %add3A_335 : i32 to vector<16xi32>
      %add3A_337 = arith.addi %sub3A_331, %add3A_336 : vector<16xi32>
      %select_n3A_338 = arith.select %lt3A_334, %add3A_337, %sub3A_331 : vector<16xi1>, vector<16xi32>
      %ge3A_339 = arith.constant 2000003 : i32
      %ge3A_340 = vector.broadcast %ge3A_339 : i32 to vector<16xi32>
      %ge3A_341 = arith.cmpi sge, %select_n3A_338, %ge3A_340 : vector<16xi32>
      %sub3A_342 = arith.constant 2000003 : i32
      %sub3A_343 = vector.broadcast %sub3A_342 : i32 to vector<16xi32>
      %sub3A_344 = arith.subi %select_n3A_338, %sub3A_343 : vector<16xi32>
      %select_n3A_345 = arith.select %ge3A_341, %sub3A_344, %select_n3A_338 : vector<16xi1>, vector<16xi32>
      %sub3A_346 = arith.constant 1 : i32
      %sub3A_347 = vector.broadcast %sub3A_346 : i32 to vector<16xi32>
      %sub3A_348 = arith.subi %iota3A, %sub3A_347 : vector<16xi32>
      %sub3A_349 = arith.constant 2 : i32
      %sub3A_350 = vector.broadcast %sub3A_349 : i32 to vector<16xi32>
      %sub3A_351 = arith.subi %iota3A, %sub3A_350 : vector<16xi32>
      %sub3A_352 = arith.constant 3 : i32
      %sub3A_353 = vector.broadcast %sub3A_352 : i32 to vector<16xi32>
      %sub3A_354 = arith.subi %iota3A, %sub3A_353 : vector<16xi32>
      %add3A_355 = vector.broadcast %mul3A_254 : i32 to vector<16xi32>
      %add3A_356 = arith.addi %add3A_355, %mul3A_266 : vector<16xi32>
      %max3A_357 = arith.constant 0 : i32
      %max3A_358 = vector.broadcast %max3A_357 : i32 to vector<16xi32>
      %max3A_359 = arith.maxsi %sub3A_348, %max3A_358 : vector<16xi32>
      %add3A_360 = arith.addi %add3A_356, %max3A_359 : vector<16xi32>
      %gather3A_361 = tpu.vector_load_idx %arg7[%add3A_360] : memref<25600xi32, #tpu.memory_space<vmem>>[vector<16xi32>], vector<16xi32>,
      %add3A_362 = vector.broadcast %mul3A_254 : i32 to vector<16xi32>
      %add3A_363 = arith.addi %add3A_362, %mul3A_266 : vector<16xi32>
      %max3A_364 = arith.constant 0 : i32
      %max3A_365 = vector.broadcast %max3A_364 : i32 to vector<16xi32>
      %max3A_366 = arith.maxsi %sub3A_351, %max3A_365 : vector<16xi32>
      %add3A_367 = arith.addi %add3A_363, %max3A_366 : vector<16xi32>
      %gather3A_368 = tpu.vector_load_idx %arg7[%add3A_367] : memref<25600xi32, #tpu.memory_space<vmem>>[vector<16xi32>], vector<16xi32>,
      %add3A_369 = vector.broadcast %mul3A_254 : i32 to vector<16xi32>
      %add3A_370 = arith.addi %add3A_369, %mul3A_266 : vector<16xi32>
      %max3A_371 = arith.constant 0 : i32
      %max3A_372 = vector.broadcast %max3A_371 : i32 to vector<16xi32>
      %max3A_373 = arith.maxsi %sub3A_354, %max3A_372 : vector<16xi32>
      %add3A_374 = arith.addi %add3A_370, %max3A_373 : vector<16xi32>
      %gather3A_375 = tpu.vector_load_idx %arg7[%add3A_374] : memref<25600xi32, #tpu.memory_space<vmem>>[vector<16xi32>], vector<16xi32>,
      %ge3A_376 = arith.constant 0 : i32
      %ge3A_377 = vector.broadcast %ge3A_376 : i32 to vector<16xi32>
      %ge3A_378 = arith.cmpi sge, %sub3A_348, %ge3A_377 : vector<16xi32>
      %jit3A_379 = arith.constant 0 : i32
      %broadcast_in_dim3A_380 = vector.broadcast %jit3A_379 : i32 to vector<16xi32>
      %select_n3A_381 = arith.select %ge3A_378, %gather3A_361, %broadcast_in_dim3A_380 : vector<16xi1>, vector<16xi32>
      %ge3A_382 = arith.constant 0 : i32
      %ge3A_383 = vector.broadcast %ge3A_382 : i32 to vector<16xi32>
      %ge3A_384 = arith.cmpi sge, %sub3A_351, %ge3A_383 : vector<16xi32>
      %jit3A_385 = arith.constant 0 : i32
      %broadcast_in_dim3A_386 = vector.broadcast %jit3A_385 : i32 to vector<16xi32>
      %select_n3A_387 = arith.select %ge3A_384, %gather3A_368, %broadcast_in_dim3A_386 : vector<16xi1>, vector<16xi32>
      %ge3A_388 = arith.constant 0 : i32
      %ge3A_389 = vector.broadcast %ge3A_388 : i32 to vector<16xi32>
      %ge3A_390 = arith.cmpi sge, %sub3A_354, %ge3A_389 : vector<16xi32>
      %jit3A_391 = arith.constant 0 : i32
      %broadcast_in_dim3A_392 = vector.broadcast %jit3A_391 : i32 to vector<16xi32>
      %select_n3A_393 = arith.select %ge3A_390, %gather3A_375, %broadcast_in_dim3A_392 : vector<16xi1>, vector<16xi32>
      %mul3A_394 = arith.constant 17161 : i32
      %mul3A_395 = vector.broadcast %mul3A_394 : i32 to vector<16xi32>
      %mul3A_396 = arith.muli %select_n3A_393, %mul3A_395 : vector<16xi32>
      %mul3A_397 = arith.constant 131 : i32
      %mul3A_398 = vector.broadcast %mul3A_397 : i32 to vector<16xi32>
      %mul3A_399 = arith.muli %select_n3A_387, %mul3A_398 : vector<16xi32>
      %add3A_400 = arith.addi %mul3A_396, %mul3A_399 : vector<16xi32>
      %add3A_401 = arith.addi %add3A_400, %select_n3A_381 : vector<16xi32>
      %convert_element_type3A_402 = arith.sitofp %add3A_401 : vector<16xi32> to vector<16xf32>
      %mul3A_403 = arith.constant 4.9999926E-7 : f32
      %mul3A_404 = vector.broadcast %mul3A_403 : f32 to vector<16xf32>
      %mul3A_405 = arith.mulf %convert_element_type3A_402, %mul3A_404 : vector<16xf32>
      %convert_element_type3A_406 = arith.fptosi %mul3A_405 : vector<16xf32> to vector<16xi32>
      %mul3A_407 = arith.constant 2000003 : i32
      %mul3A_408 = vector.broadcast %mul3A_407 : i32 to vector<16xi32>
      %mul3A_409 = arith.muli %convert_element_type3A_406, %mul3A_408 : vector<16xi32>
      %sub3A_410 = arith.subi %add3A_401, %mul3A_409 : vector<16xi32>
      %lt3A_411 = arith.constant 0 : i32
      %lt3A_412 = vector.broadcast %lt3A_411 : i32 to vector<16xi32>
      %lt3A_413 = arith.cmpi slt, %sub3A_410, %lt3A_412 : vector<16xi32>
      %add3A_414 = arith.constant 2000003 : i32
      %add3A_415 = vector.broadcast %add3A_414 : i32 to vector<16xi32>
      %add3A_416 = arith.addi %sub3A_410, %add3A_415 : vector<16xi32>
      %select_n3A_417 = arith.select %lt3A_413, %add3A_416, %sub3A_410 : vector<16xi1>, vector<16xi32>
      %ge3A_418 = arith.constant 2000003 : i32
      %ge3A_419 = vector.broadcast %ge3A_418 : i32 to vector<16xi32>
      %ge3A_420 = arith.cmpi sge, %select_n3A_417, %ge3A_419 : vector<16xi32>
      %sub3A_421 = arith.constant 2000003 : i32
      %sub3A_422 = vector.broadcast %sub3A_421 : i32 to vector<16xi32>
      %sub3A_423 = arith.subi %select_n3A_417, %sub3A_422 : vector<16xi32>
      %select_n3A_424 = arith.select %ge3A_420, %sub3A_423, %select_n3A_417 : vector<16xi1>, vector<16xi32>
      %parallel_loop3A_425 = arith.constant 0 : i32
      %parallel_loop3A_426 = arith.constant 200 : i32
      %parallel_loop3A_427 = arith.constant 1 : i32
      %parallel_loop3A_428:7 = scf.for %parallel_loop3A_466 = %parallel_loop3A_425 to %parallel_loop3A_426 step %parallel_loop3A_427 iter_args(%parallel_loop3A_467 = %iota3A, %parallel_loop3A_468 = %select_n3A_302, %parallel_loop3A_469 = %select_n3A_308, %parallel_loop3A_470 = %select_n3A_345, %parallel_loop3A_471 = %select_n3A_381, %parallel_loop3A_472 = %select_n3A_387, %parallel_loop3A_473 = %select_n3A_424) -> (vector<16xi32>, vector<16xi32>, vector<16xi32>, vector<16xi32>, vector<16xi32>, vector<16xi32>, vector<16xi32>)  : i32 {
        %parallel_loop3A_474 = arith.constant 1 : i32
        %parallel_loop3A_475 = vector.broadcast %parallel_loop3A_474 : i32 to vector<16xi32>
        %parallel_loop3A_476 = arith.addi %parallel_loop3A_467, %parallel_loop3A_475 : vector<16xi32>
        %parallel_loop3A_477 = arith.constant 200 : i32
        %parallel_loop3A_478 = vector.broadcast %parallel_loop3A_477 : i32 to vector<16xi32>
        %parallel_loop3A_479 = arith.cmpi sge, %parallel_loop3A_476, %parallel_loop3A_478 : vector<16xi32>
        %parallel_loop3A_480 = arith.constant 200 : i32
        %parallel_loop3A_481 = vector.broadcast %parallel_loop3A_480 : i32 to vector<16xi32>
        %parallel_loop3A_482 = arith.subi %parallel_loop3A_476, %parallel_loop3A_481 : vector<16xi32>
        %parallel_loop3A_483 = arith.select %parallel_loop3A_479, %parallel_loop3A_482, %parallel_loop3A_476 : vector<16xi1>, vector<16xi32>
        %parallel_loop3A_484 = arith.addi %mul3A_260, %parallel_loop3A_467 : vector<16xi32>
        %parallel_loop3A_485 = vector.broadcast %mul3A_254 : i32 to vector<16xi32>
        %parallel_loop3A_486 = arith.addi %parallel_loop3A_485, %parallel_loop3A_484 : vector<16xi32>
        %parallel_loop3A_487 = tpu.vector_load_idx %arg7[%parallel_loop3A_486] : memref<25600xi32, #tpu.memory_space<vmem>>[vector<16xi32>], vector<16xi32>,
        %parallel_loop3A_488 = arith.constant 131 : i32
        %parallel_loop3A_489 = vector.broadcast %parallel_loop3A_488 : i32 to vector<16xi32>
        %parallel_loop3A_490 = arith.muli %parallel_loop3A_468, %parallel_loop3A_489 : vector<16xi32>
        %parallel_loop3A_491 = arith.addi %parallel_loop3A_490, %parallel_loop3A_487 : vector<16xi32>
        %parallel_loop3A_492 = arith.sitofp %parallel_loop3A_491 : vector<16xi32> to vector<16xf32>
        %parallel_loop3A_493 = arith.constant 4.9999926E-7 : f32
        %parallel_loop3A_494 = vector.broadcast %parallel_loop3A_493 : f32 to vector<16xf32>
        %parallel_loop3A_495 = arith.mulf %parallel_loop3A_492, %parallel_loop3A_494 : vector<16xf32>
        %parallel_loop3A_496 = arith.fptosi %parallel_loop3A_495 : vector<16xf32> to vector<16xi32>
        %parallel_loop3A_497 = arith.constant 2000003 : i32
        %parallel_loop3A_498 = vector.broadcast %parallel_loop3A_497 : i32 to vector<16xi32>
        %parallel_loop3A_499 = arith.muli %parallel_loop3A_496, %parallel_loop3A_498 : vector<16xi32>
        %parallel_loop3A_500 = arith.subi %parallel_loop3A_491, %parallel_loop3A_499 : vector<16xi32>
        %parallel_loop3A_501 = arith.constant 0 : i32
        %parallel_loop3A_502 = vector.broadcast %parallel_loop3A_501 : i32 to vector<16xi32>
        %parallel_loop3A_503 = arith.cmpi slt, %parallel_loop3A_500, %parallel_loop3A_502 : vector<16xi32>
        %parallel_loop3A_504 = arith.constant 2000003 : i32
        %parallel_loop3A_505 = vector.broadcast %parallel_loop3A_504 : i32 to vector<16xi32>
        %parallel_loop3A_506 = arith.addi %parallel_loop3A_500, %parallel_loop3A_505 : vector<16xi32>
        %parallel_loop3A_507 = arith.select %parallel_loop3A_503, %parallel_loop3A_506, %parallel_loop3A_500 : vector<16xi1>, vector<16xi32>
        %parallel_loop3A_508 = arith.constant 2000003 : i32
        %parallel_loop3A_509 = vector.broadcast %parallel_loop3A_508 : i32 to vector<16xi32>
        %parallel_loop3A_510 = arith.cmpi sge, %parallel_loop3A_507, %parallel_loop3A_509 : vector<16xi32>
        %parallel_loop3A_511 = arith.constant 2000003 : i32
        %parallel_loop3A_512 = vector.broadcast %parallel_loop3A_511 : i32 to vector<16xi32>
        %parallel_loop3A_513 = arith.subi %parallel_loop3A_507, %parallel_loop3A_512 : vector<16xi32>
        %parallel_loop3A_514 = arith.select %parallel_loop3A_510, %parallel_loop3A_513, %parallel_loop3A_507 : vector<16xi1>, vector<16xi32>
        %parallel_loop3A_515 = arith.constant 17161 : i32
        %parallel_loop3A_516 = vector.broadcast %parallel_loop3A_515 : i32 to vector<16xi32>
        %parallel_loop3A_517 = arith.muli %parallel_loop3A_469, %parallel_loop3A_516 : vector<16xi32>
        %parallel_loop3A_518 = arith.addi %parallel_loop3A_517, %parallel_loop3A_491 : vector<16xi32>
        %parallel_loop3A_519 = arith.sitofp %parallel_loop3A_518 : vector<16xi32> to vector<16xf32>
        %parallel_loop3A_520 = arith.constant 4.9999926E-7 : f32
        %parallel_loop3A_521 = vector.broadcast %parallel_loop3A_520 : f32 to vector<16xf32>
        %parallel_loop3A_522 = arith.mulf %parallel_loop3A_519, %parallel_loop3A_521 : vector<16xf32>
        %parallel_loop3A_523 = arith.fptosi %parallel_loop3A_522 : vector<16xf32> to vector<16xi32>
        %parallel_loop3A_524 = arith.constant 2000003 : i32
        %parallel_loop3A_525 = vector.broadcast %parallel_loop3A_524 : i32 to vector<16xi32>
        %parallel_loop3A_526 = arith.muli %parallel_loop3A_523, %parallel_loop3A_525 : vector<16xi32>
        %parallel_loop3A_527 = arith.subi %parallel_loop3A_518, %parallel_loop3A_526 : vector<16xi32>
        %parallel_loop3A_528 = arith.constant 0 : i32
        %parallel_loop3A_529 = vector.broadcast %parallel_loop3A_528 : i32 to vector<16xi32>
        %parallel_loop3A_530 = arith.cmpi slt, %parallel_loop3A_527, %parallel_loop3A_529 : vector<16xi32>
        %parallel_loop3A_531 = arith.constant 2000003 : i32
        %parallel_loop3A_532 = vector.broadcast %parallel_loop3A_531 : i32 to vector<16xi32>
        %parallel_loop3A_533 = arith.addi %parallel_loop3A_527, %parallel_loop3A_532 : vector<16xi32>
        %parallel_loop3A_534 = arith.select %parallel_loop3A_530, %parallel_loop3A_533, %parallel_loop3A_527 : vector<16xi1>, vector<16xi32>
        %parallel_loop3A_535 = arith.constant 2000003 : i32
        %parallel_loop3A_536 = vector.broadcast %parallel_loop3A_535 : i32 to vector<16xi32>
        %parallel_loop3A_537 = arith.cmpi sge, %parallel_loop3A_534, %parallel_loop3A_536 : vector<16xi32>
        %parallel_loop3A_538 = arith.constant 2000003 : i32
        %parallel_loop3A_539 = vector.broadcast %parallel_loop3A_538 : i32 to vector<16xi32>
        %parallel_loop3A_540 = arith.subi %parallel_loop3A_534, %parallel_loop3A_539 : vector<16xi32>
        %parallel_loop3A_541 = arith.select %parallel_loop3A_537, %parallel_loop3A_540, %parallel_loop3A_534 : vector<16xi1>, vector<16xi32>
        %parallel_loop3A_542 = arith.constant 131 : i32
        %parallel_loop3A_543 = vector.broadcast %parallel_loop3A_542 : i32 to vector<16xi32>
        %parallel_loop3A_544 = arith.muli %parallel_loop3A_470, %parallel_loop3A_543 : vector<16xi32>
        %parallel_loop3A_545 = arith.addi %parallel_loop3A_544, %parallel_loop3A_487 : vector<16xi32>
        %parallel_loop3A_546 = arith.sitofp %parallel_loop3A_545 : vector<16xi32> to vector<16xf32>
        %parallel_loop3A_547 = arith.constant 4.9999926E-7 : f32
        %parallel_loop3A_548 = vector.broadcast %parallel_loop3A_547 : f32 to vector<16xf32>
        %parallel_loop3A_549 = arith.mulf %parallel_loop3A_546, %parallel_loop3A_548 : vector<16xf32>
        %parallel_loop3A_550 = arith.fptosi %parallel_loop3A_549 : vector<16xf32> to vector<16xi32>
        %parallel_loop3A_551 = arith.constant 2000003 : i32
        %parallel_loop3A_552 = vector.broadcast %parallel_loop3A_551 : i32 to vector<16xi32>
        %parallel_loop3A_553 = arith.muli %parallel_loop3A_550, %parallel_loop3A_552 : vector<16xi32>
        %parallel_loop3A_554 = arith.subi %parallel_loop3A_545, %parallel_loop3A_553 : vector<16xi32>
        %parallel_loop3A_555 = arith.constant 0 : i32
        %parallel_loop3A_556 = vector.broadcast %parallel_loop3A_555 : i32 to vector<16xi32>
        %parallel_loop3A_557 = arith.cmpi slt, %parallel_loop3A_554, %parallel_loop3A_556 : vector<16xi32>
        %parallel_loop3A_558 = arith.constant 2000003 : i32
        %parallel_loop3A_559 = vector.broadcast %parallel_loop3A_558 : i32 to vector<16xi32>
        %parallel_loop3A_560 = arith.addi %parallel_loop3A_554, %parallel_loop3A_559 : vector<16xi32>
        %parallel_loop3A_561 = arith.select %parallel_loop3A_557, %parallel_loop3A_560, %parallel_loop3A_554 : vector<16xi1>, vector<16xi32>
        %parallel_loop3A_562 = arith.constant 2000003 : i32
        %parallel_loop3A_563 = vector.broadcast %parallel_loop3A_562 : i32 to vector<16xi32>
        %parallel_loop3A_564 = arith.cmpi sge, %parallel_loop3A_561, %parallel_loop3A_563 : vector<16xi32>
        %parallel_loop3A_565 = arith.constant 2000003 : i32
        %parallel_loop3A_566 = vector.broadcast %parallel_loop3A_565 : i32 to vector<16xi32>
        %parallel_loop3A_567 = arith.subi %parallel_loop3A_561, %parallel_loop3A_566 : vector<16xi32>
        %parallel_loop3A_568 = arith.select %parallel_loop3A_564, %parallel_loop3A_567, %parallel_loop3A_561 : vector<16xi1>, vector<16xi32>
        tpu.vector_store_idx %arg14[%parallel_loop3A_484], %parallel_loop3A_514 : memref<6400xi32, #tpu.memory_space<vmem>>[vector<16xi32>], vector<16xi32>,
        tpu.vector_store_idx %arg15[%parallel_loop3A_484], %parallel_loop3A_541 : memref<6400xi32, #tpu.memory_space<vmem>>[vector<16xi32>], vector<16xi32>,
        tpu.vector_store_idx %arg16[%parallel_loop3A_484], %parallel_loop3A_568 : memref<6400xi32, #tpu.memory_space<vmem>>[vector<16xi32>], vector<16xi32>,
        %parallel_loop3A_569 = arith.constant 0 : i32
        %parallel_loop3A_570 = vector.broadcast %parallel_loop3A_569 : i32 to vector<16xi32>
        %parallel_loop3A_571 = arith.select %parallel_loop3A_479, %parallel_loop3A_570, %parallel_loop3A_487 : vector<16xi1>, vector<16xi32>
        %parallel_loop3A_572 = arith.constant 0 : i32
        %parallel_loop3A_573 = vector.broadcast %parallel_loop3A_572 : i32 to vector<16xi32>
        %parallel_loop3A_574 = arith.select %parallel_loop3A_479, %parallel_loop3A_573, %parallel_loop3A_468 : vector<16xi1>, vector<16xi32>
        %parallel_loop3A_575 = arith.constant 0 : i32
        %parallel_loop3A_576 = vector.broadcast %parallel_loop3A_575 : i32 to vector<16xi32>
        %parallel_loop3A_577 = arith.select %parallel_loop3A_479, %parallel_loop3A_576, %parallel_loop3A_541 : vector<16xi1>, vector<16xi32>
        %parallel_loop3A_578 = arith.addi %mul3A_266, %parallel_loop3A_467 : vector<16xi32>
        %parallel_loop3A_579 = vector.broadcast %mul3A_254 : i32 to vector<16xi32>
        %parallel_loop3A_580 = arith.addi %parallel_loop3A_579, %parallel_loop3A_578 : vector<16xi32>
        %parallel_loop3A_581 = tpu.vector_load_idx %arg7[%parallel_loop3A_580] : memref<25600xi32, #tpu.memory_space<vmem>>[vector<16xi32>], vector<16xi32>,
        %parallel_loop3A_582 = arith.constant 131 : i32
        %parallel_loop3A_583 = vector.broadcast %parallel_loop3A_582 : i32 to vector<16xi32>
        %parallel_loop3A_584 = arith.muli %parallel_loop3A_471, %parallel_loop3A_583 : vector<16xi32>
        %parallel_loop3A_585 = arith.addi %parallel_loop3A_584, %parallel_loop3A_581 : vector<16xi32>
        %parallel_loop3A_586 = arith.sitofp %parallel_loop3A_585 : vector<16xi32> to vector<16xf32>
        %parallel_loop3A_587 = arith.constant 4.9999926E-7 : f32
        %parallel_loop3A_588 = vector.broadcast %parallel_loop3A_587 : f32 to vector<16xf32>
        %parallel_loop3A_589 = arith.mulf %parallel_loop3A_586, %parallel_loop3A_588 : vector<16xf32>
        %parallel_loop3A_590 = arith.fptosi %parallel_loop3A_589 : vector<16xf32> to vector<16xi32>
        %parallel_loop3A_591 = arith.constant 2000003 : i32
        %parallel_loop3A_592 = vector.broadcast %parallel_loop3A_591 : i32 to vector<16xi32>
        %parallel_loop3A_593 = arith.muli %parallel_loop3A_590, %parallel_loop3A_592 : vector<16xi32>
        %parallel_loop3A_594 = arith.subi %parallel_loop3A_585, %parallel_loop3A_593 : vector<16xi32>
        %parallel_loop3A_595 = arith.constant 0 : i32
        %parallel_loop3A_596 = vector.broadcast %parallel_loop3A_595 : i32 to vector<16xi32>
        %parallel_loop3A_597 = arith.cmpi slt, %parallel_loop3A_594, %parallel_loop3A_596 : vector<16xi32>
        %parallel_loop3A_598 = arith.constant 2000003 : i32
        %parallel_loop3A_599 = vector.broadcast %parallel_loop3A_598 : i32 to vector<16xi32>
        %parallel_loop3A_600 = arith.addi %parallel_loop3A_594, %parallel_loop3A_599 : vector<16xi32>
        %parallel_loop3A_601 = arith.select %parallel_loop3A_597, %parallel_loop3A_600, %parallel_loop3A_594 : vector<16xi1>, vector<16xi32>
        %parallel_loop3A_602 = arith.constant 2000003 : i32
        %parallel_loop3A_603 = vector.broadcast %parallel_loop3A_602 : i32 to vector<16xi32>
        %parallel_loop3A_604 = arith.cmpi sge, %parallel_loop3A_601, %parallel_loop3A_603 : vector<16xi32>
        %parallel_loop3A_605 = arith.constant 2000003 : i32
        %parallel_loop3A_606 = vector.broadcast %parallel_loop3A_605 : i32 to vector<16xi32>
        %parallel_loop3A_607 = arith.subi %parallel_loop3A_601, %parallel_loop3A_606 : vector<16xi32>
        %parallel_loop3A_608 = arith.select %parallel_loop3A_604, %parallel_loop3A_607, %parallel_loop3A_601 : vector<16xi1>, vector<16xi32>
        %parallel_loop3A_609 = arith.constant 17161 : i32
        %parallel_loop3A_610 = vector.broadcast %parallel_loop3A_609 : i32 to vector<16xi32>
        %parallel_loop3A_611 = arith.muli %parallel_loop3A_472, %parallel_loop3A_610 : vector<16xi32>
        %parallel_loop3A_612 = arith.addi %parallel_loop3A_611, %parallel_loop3A_585 : vector<16xi32>
        %parallel_loop3A_613 = arith.sitofp %parallel_loop3A_612 : vector<16xi32> to vector<16xf32>
        %parallel_loop3A_614 = arith.constant 4.9999926E-7 : f32
        %parallel_loop3A_615 = vector.broadcast %parallel_loop3A_614 : f32 to vector<16xf32>
        %parallel_loop3A_616 = arith.mulf %parallel_loop3A_613, %parallel_loop3A_615 : vector<16xf32>
        %parallel_loop3A_617 = arith.fptosi %parallel_loop3A_616 : vector<16xf32> to vector<16xi32>
        %parallel_loop3A_618 = arith.constant 2000003 : i32
        %parallel_loop3A_619 = vector.broadcast %parallel_loop3A_618 : i32 to vector<16xi32>
        %parallel_loop3A_620 = arith.muli %parallel_loop3A_617, %parallel_loop3A_619 : vector<16xi32>
        %parallel_loop3A_621 = arith.subi %parallel_loop3A_612, %parallel_loop3A_620 : vector<16xi32>
        %parallel_loop3A_622 = arith.constant 0 : i32
        %parallel_loop3A_623 = vector.broadcast %parallel_loop3A_622 : i32 to vector<16xi32>
        %parallel_loop3A_624 = arith.cmpi slt, %parallel_loop3A_621, %parallel_loop3A_623 : vector<16xi32>
        %parallel_loop3A_625 = arith.constant 2000003 : i32
        %parallel_loop3A_626 = vector.broadcast %parallel_loop3A_625 : i32 to vector<16xi32>
        %parallel_loop3A_627 = arith.addi %parallel_loop3A_621, %parallel_loop3A_626 : vector<16xi32>
        %parallel_loop3A_628 = arith.select %parallel_loop3A_624, %parallel_loop3A_627, %parallel_loop3A_621 : vector<16xi1>, vector<16xi32>
        %parallel_loop3A_629 = arith.constant 2000003 : i32
        %parallel_loop3A_630 = vector.broadcast %parallel_loop3A_629 : i32 to vector<16xi32>
        %parallel_loop3A_631 = arith.cmpi sge, %parallel_loop3A_628, %parallel_loop3A_630 : vector<16xi32>
        %parallel_loop3A_632 = arith.constant 2000003 : i32
        %parallel_loop3A_633 = vector.broadcast %parallel_loop3A_632 : i32 to vector<16xi32>
        %parallel_loop3A_634 = arith.subi %parallel_loop3A_628, %parallel_loop3A_633 : vector<16xi32>
        %parallel_loop3A_635 = arith.select %parallel_loop3A_631, %parallel_loop3A_634, %parallel_loop3A_628 : vector<16xi1>, vector<16xi32>
        %parallel_loop3A_636 = arith.constant 131 : i32
        %parallel_loop3A_637 = vector.broadcast %parallel_loop3A_636 : i32 to vector<16xi32>
        %parallel_loop3A_638 = arith.muli %parallel_loop3A_473, %parallel_loop3A_637 : vector<16xi32>
        %parallel_loop3A_639 = arith.addi %parallel_loop3A_638, %parallel_loop3A_581 : vector<16xi32>
        %parallel_loop3A_640 = arith.sitofp %parallel_loop3A_639 : vector<16xi32> to vector<16xf32>
        %parallel_loop3A_641 = arith.constant 4.9999926E-7 : f32
        %parallel_loop3A_642 = vector.broadcast %parallel_loop3A_641 : f32 to vector<16xf32>
        %parallel_loop3A_643 = arith.mulf %parallel_loop3A_640, %parallel_loop3A_642 : vector<16xf32>
        %parallel_loop3A_644 = arith.fptosi %parallel_loop3A_643 : vector<16xf32> to vector<16xi32>
        %parallel_loop3A_645 = arith.constant 2000003 : i32
        %parallel_loop3A_646 = vector.broadcast %parallel_loop3A_645 : i32 to vector<16xi32>
        %parallel_loop3A_647 = arith.muli %parallel_loop3A_644, %parallel_loop3A_646 : vector<16xi32>
        %parallel_loop3A_648 = arith.subi %parallel_loop3A_639, %parallel_loop3A_647 : vector<16xi32>
        %parallel_loop3A_649 = arith.constant 0 : i32
        %parallel_loop3A_650 = vector.broadcast %parallel_loop3A_649 : i32 to vector<16xi32>
        %parallel_loop3A_651 = arith.cmpi slt, %parallel_loop3A_648, %parallel_loop3A_650 : vector<16xi32>
        %parallel_loop3A_652 = arith.constant 2000003 : i32
        %parallel_loop3A_653 = vector.broadcast %parallel_loop3A_652 : i32 to vector<16xi32>
        %parallel_loop3A_654 = arith.addi %parallel_loop3A_648, %parallel_loop3A_653 : vector<16xi32>
        %parallel_loop3A_655 = arith.select %parallel_loop3A_651, %parallel_loop3A_654, %parallel_loop3A_648 : vector<16xi1>, vector<16xi32>
        %parallel_loop3A_656 = arith.constant 2000003 : i32
        %parallel_loop3A_657 = vector.broadcast %parallel_loop3A_656 : i32 to vector<16xi32>
        %parallel_loop3A_658 = arith.cmpi sge, %parallel_loop3A_655, %parallel_loop3A_657 : vector<16xi32>
        %parallel_loop3A_659 = arith.constant 2000003 : i32
        %parallel_loop3A_660 = vector.broadcast %parallel_loop3A_659 : i32 to vector<16xi32>
        %parallel_loop3A_661 = arith.subi %parallel_loop3A_655, %parallel_loop3A_660 : vector<16xi32>
        %parallel_loop3A_662 = arith.select %parallel_loop3A_658, %parallel_loop3A_661, %parallel_loop3A_655 : vector<16xi1>, vector<16xi32>
        tpu.vector_store_idx %arg14[%parallel_loop3A_578], %parallel_loop3A_608 : memref<6400xi32, #tpu.memory_space<vmem>>[vector<16xi32>], vector<16xi32>,
        tpu.vector_store_idx %arg15[%parallel_loop3A_578], %parallel_loop3A_635 : memref<6400xi32, #tpu.memory_space<vmem>>[vector<16xi32>], vector<16xi32>,
        tpu.vector_store_idx %arg16[%parallel_loop3A_578], %parallel_loop3A_662 : memref<6400xi32, #tpu.memory_space<vmem>>[vector<16xi32>], vector<16xi32>,
        %parallel_loop3A_663 = arith.constant 0 : i32
        %parallel_loop3A_664 = vector.broadcast %parallel_loop3A_663 : i32 to vector<16xi32>
        %parallel_loop3A_665 = arith.select %parallel_loop3A_479, %parallel_loop3A_664, %parallel_loop3A_581 : vector<16xi1>, vector<16xi32>
        %parallel_loop3A_666 = arith.constant 0 : i32
        %parallel_loop3A_667 = vector.broadcast %parallel_loop3A_666 : i32 to vector<16xi32>
        %parallel_loop3A_668 = arith.select %parallel_loop3A_479, %parallel_loop3A_667, %parallel_loop3A_471 : vector<16xi1>, vector<16xi32>
        %parallel_loop3A_669 = arith.constant 0 : i32
        %parallel_loop3A_670 = vector.broadcast %parallel_loop3A_669 : i32 to vector<16xi32>
        %parallel_loop3A_671 = arith.select %parallel_loop3A_479, %parallel_loop3A_670, %parallel_loop3A_635 : vector<16xi1>, vector<16xi32>
        scf.yield %parallel_loop3A_483, %parallel_loop3A_571, %parallel_loop3A_574, %parallel_loop3A_577, %parallel_loop3A_665, %parallel_loop3A_668, %parallel_loop3A_671 : vector<16xi32>, vector<16xi32>, vector<16xi32>, vector<16xi32>, vector<16xi32>, vector<16xi32>, vector<16xi32>
      } {sc.loop_unroll_factor = 2 : i64, sc.parallel_access}
      %gt3A_429 = arith.constant 0 : i32
      %gt3A_430 = arith.cmpi sgt, %scan3A_71, %gt3A_429 : i32
      %convert_element_type3A_431 = arith.extui %gt3A_430 : i1 to i32
      %cond3A_432 = arith.constant 0 : i32
      %cond3A_433 = arith.cmpi ne, %convert_element_type3A_431, %cond3A_432 : i32
      scf.if %cond3A_433 {
        %dma_wait3A_466 = arith.constant 0 : i32
        %dma_wait3A_467 = tpu.memref_slice %arg3[%dma_wait3A_466] : memref<2000003xf32, #tpu.memory_space<hbm>> -> memref<2000003xf32, #tpu.memory_space<hbm>>
        tpu.wait_indirect_dma semaphore(%arg21 : memref<!tpu.dma_semaphore, #tpu.memory_space<semaphore_mem>>) src(%dma_wait3A_467 : memref<2000003xf32, #tpu.memory_space<hbm>>) dst(%arg17 : memref<6400xf32, #tpu.memory_space<vmem>>)
        %dma_wait3A_468 = arith.constant 0 : i32
        %dma_wait3A_469 = tpu.memref_slice %arg4[%dma_wait3A_468] : memref<2000003xf32, #tpu.memory_space<hbm>> -> memref<2000003xf32, #tpu.memory_space<hbm>>
        tpu.wait_indirect_dma semaphore(%arg21 : memref<!tpu.dma_semaphore, #tpu.memory_space<semaphore_mem>>) src(%dma_wait3A_469 : memref<2000003xf32, #tpu.memory_space<hbm>>) dst(%arg18 : memref<6400xf32, #tpu.memory_space<vmem>>)
        %dma_wait3A_470 = arith.constant 0 : i32
        %dma_wait3A_471 = tpu.memref_slice %arg5[%dma_wait3A_470] : memref<2000003xf32, #tpu.memory_space<hbm>> -> memref<2000003xf32, #tpu.memory_space<hbm>>
        tpu.wait_indirect_dma semaphore(%arg21 : memref<!tpu.dma_semaphore, #tpu.memory_space<semaphore_mem>>) src(%dma_wait3A_471 : memref<2000003xf32, #tpu.memory_space<hbm>>) dst(%arg19 : memref<6400xf32, #tpu.memory_space<vmem>>)
        %sub3A_472 = arith.constant 1 : i32
        %sub3A_473 = arith.subi %mul3A_73, %sub3A_472 : i32
        %mul3A_474 = arith.constant 128 : i32
        %mul3A_475 = arith.muli %add3A, %mul3A_474 : i32
        %mul3A_476 = arith.constant 32 : i32
        %mul3A_477 = arith.muli %sub3A_473, %mul3A_476 : i32
        %add3A_478 = arith.addi %mul3A_475, %mul3A_477 : i32
        %mul3A_479 = arith.constant 200 : i32
        %mul3A_480 = arith.muli %add3A_478, %mul3A_479 : i32
        %multiple_of3A_481 = tpu.assume_multiple %mul3A_480, 256 : i32
        %add3A_482 = arith.constant 0 : i32
        %add3A_483 = arith.addi %add3A_482, %multiple_of3A_481 : i32
        %add3A_484 = arith.constant 819200 : i32
        %add3A_485 = arith.addi %add3A_484, %multiple_of3A_481 : i32
        %add3A_486 = arith.constant 1638400 : i32
        %add3A_487 = arith.addi %add3A_486, %multiple_of3A_481 : i32
        %dma_start3A_488 = tpu.memref_slice %arg6[%add3A_483] : memref<2457600xf32, #tpu.memory_space<hbm>> -> memref<6400xf32, #tpu.memory_space<hbm>>
        %dma_start3A_489 = tpu.memref_slice %arg6[%add3A_483] : memref<2457600xf32, #tpu.memory_space<hbm>> -> memref<6400xf32, #tpu.memory_space<hbm>>
        tpu.enqueue_dma source(%arg17 : memref<6400xf32, #tpu.memory_space<vmem>>) target(%dma_start3A_489 : memref<6400xf32, #tpu.memory_space<hbm>>) target_semaphore(%arg23 : memref<!tpu.dma_semaphore, #tpu.memory_space<semaphore_mem>>)
        %dma_start3A_490 = tpu.memref_slice %arg6[%add3A_485] : memref<2457600xf32, #tpu.memory_space<hbm>> -> memref<6400xf32, #tpu.memory_space<hbm>>
        %dma_start3A_491 = tpu.memref_slice %arg6[%add3A_485] : memref<2457600xf32, #tpu.memory_space<hbm>> -> memref<6400xf32, #tpu.memory_space<hbm>>
        tpu.enqueue_dma source(%arg18 : memref<6400xf32, #tpu.memory_space<vmem>>) target(%dma_start3A_491 : memref<6400xf32, #tpu.memory_space<hbm>>) target_semaphore(%arg23 : memref<!tpu.dma_semaphore, #tpu.memory_space<semaphore_mem>>)
        %dma_start3A_492 = tpu.memref_slice %arg6[%add3A_487] : memref<2457600xf32, #tpu.memory_space<hbm>> -> memref<6400xf32, #tpu.memory_space<hbm>>
        %dma_start3A_493 = tpu.memref_slice %arg6[%add3A_487] : memref<2457600xf32, #tpu.memory_space<hbm>> -> memref<6400xf32, #tpu.memory_space<hbm>>
        tpu.enqueue_dma source(%arg19 : memref<6400xf32, #tpu.memory_space<vmem>>) target(%dma_start3A_493 : memref<6400xf32, #tpu.memory_space<hbm>>) target_semaphore(%arg23 : memref<!tpu.dma_semaphore, #tpu.memory_space<semaphore_mem>>)
        %sub3A_494 = arith.constant 1 : i32
        %sub3A_495 = arith.subi %mul3A_73, %sub3A_494 : i32
        %mul3A_496 = arith.constant 128 : i32
        %mul3A_497 = arith.muli %add3A, %mul3A_496 : i32
        %mul3A_498 = arith.constant 32 : i32
        %mul3A_499 = arith.muli %sub3A_495, %mul3A_498 : i32
        %add3A_500 = arith.addi %mul3A_497, %mul3A_499 : i32
        %mul3A_501 = arith.constant 200 : i32
        %mul3A_502 = arith.muli %add3A_500, %mul3A_501 : i32
        %multiple_of3A_503 = tpu.assume_multiple %mul3A_502, 256 : i32
        %add3A_504 = arith.constant 0 : i32
        %add3A_505 = arith.addi %add3A_504, %multiple_of3A_503 : i32
        %add3A_506 = arith.constant 819200 : i32
        %add3A_507 = arith.addi %add3A_506, %multiple_of3A_503 : i32
        %add3A_508 = arith.constant 1638400 : i32
        %add3A_509 = arith.addi %add3A_508, %multiple_of3A_503 : i32
        %dma_wait3A_510 = tpu.memref_slice %arg6[%add3A_505] : memref<2457600xf32, #tpu.memory_space<hbm>> -> memref<6400xf32, #tpu.memory_space<hbm>>
        %dma_wait3A_511 = tpu.memref_slice %arg6[%add3A_505] : memref<2457600xf32, #tpu.memory_space<hbm>> -> memref<6400xf32, #tpu.memory_space<hbm>>
        tpu.wait_dma2 semaphore(%arg23 : memref<!tpu.dma_semaphore, #tpu.memory_space<semaphore_mem>>) src(%arg17 : memref<6400xf32, #tpu.memory_space<vmem>>) dst(%dma_wait3A_511 : memref<6400xf32, #tpu.memory_space<hbm>>)
        %dma_wait3A_512 = tpu.memref_slice %arg6[%add3A_507] : memref<2457600xf32, #tpu.memory_space<hbm>> -> memref<6400xf32, #tpu.memory_space<hbm>>
        %dma_wait3A_513 = tpu.memref_slice %arg6[%add3A_507] : memref<2457600xf32, #tpu.memory_space<hbm>> -> memref<6400xf32, #tpu.memory_space<hbm>>
        tpu.wait_dma2 semaphore(%arg23 : memref<!tpu.dma_semaphore, #tpu.memory_space<semaphore_mem>>) src(%arg18 : memref<6400xf32, #tpu.memory_space<vmem>>) dst(%dma_wait3A_513 : memref<6400xf32, #tpu.memory_space<hbm>>)
        %dma_wait3A_514 = tpu.memref_slice %arg6[%add3A_509] : memref<2457600xf32, #tpu.memory_space<hbm>> -> memref<6400xf32, #tpu.memory_space<hbm>>
        %dma_wait3A_515 = tpu.memref_slice %arg6[%add3A_509] : memref<2457600xf32, #tpu.memory_space<hbm>> -> memref<6400xf32, #tpu.memory_space<hbm>>
        tpu.wait_dma2 semaphore(%arg23 : memref<!tpu.dma_semaphore, #tpu.memory_space<semaphore_mem>>) src(%arg19 : memref<6400xf32, #tpu.memory_space<vmem>>) dst(%dma_wait3A_515 : memref<6400xf32, #tpu.memory_space<hbm>>)
      } else {
      }
      %dma_start3A_434 = arith.constant 0 : i32
      %dma_start3A_435 = tpu.memref_slice %arg3[%dma_start3A_434] : memref<2000003xf32, #tpu.memory_space<hbm>> -> memref<2000003xf32, #tpu.memory_space<hbm>>
      tpu.enqueue_indirect_dma source(%dma_start3A_435 : memref<2000003xf32, #tpu.memory_space<hbm>>) target(%arg17 : memref<6400xf32, #tpu.memory_space<vmem>>) offsets(%arg14 : memref<6400xi32, #tpu.memory_space<vmem>>) semaphore(%arg21 : memref<!tpu.dma_semaphore, #tpu.memory_space<semaphore_mem>>)
      %dma_start3A_436 = arith.constant 0 : i32
      %dma_start3A_437 = tpu.memref_slice %arg4[%dma_start3A_436] : memref<2000003xf32, #tpu.memory_space<hbm>> -> memref<2000003xf32, #tpu.memory_space<hbm>>
      tpu.enqueue_indirect_dma source(%dma_start3A_437 : memref<2000003xf32, #tpu.memory_space<hbm>>) target(%arg18 : memref<6400xf32, #tpu.memory_space<vmem>>) offsets(%arg15 : memref<6400xi32, #tpu.memory_space<vmem>>) semaphore(%arg21 : memref<!tpu.dma_semaphore, #tpu.memory_space<semaphore_mem>>)
      %dma_start3A_438 = arith.constant 0 : i32
      %dma_start3A_439 = tpu.memref_slice %arg5[%dma_start3A_438] : memref<2000003xf32, #tpu.memory_space<hbm>> -> memref<2000003xf32, #tpu.memory_space<hbm>>
      tpu.enqueue_indirect_dma source(%dma_start3A_439 : memref<2000003xf32, #tpu.memory_space<hbm>>) target(%arg19 : memref<6400xf32, #tpu.memory_space<vmem>>) offsets(%arg16 : memref<6400xi32, #tpu.memory_space<vmem>>) semaphore(%arg21 : memref<!tpu.dma_semaphore, #tpu.memory_space<semaphore_mem>>)
      %dma_wait3A_440 = arith.constant 0 : i32
      %dma_wait3A_441 = tpu.memref_slice %arg3[%dma_wait3A_440] : memref<2000003xf32, #tpu.memory_space<hbm>> -> memref<2000003xf32, #tpu.memory_space<hbm>>
      tpu.wait_indirect_dma semaphore(%arg20 : memref<!tpu.dma_semaphore, #tpu.memory_space<semaphore_mem>>) src(%dma_wait3A_441 : memref<2000003xf32, #tpu.memory_space<hbm>>) dst(%arg11 : memref<6400xf32, #tpu.memory_space<vmem>>)
      %dma_wait3A_442 = arith.constant 0 : i32
      %dma_wait3A_443 = tpu.memref_slice %arg4[%dma_wait3A_442] : memref<2000003xf32, #tpu.memory_space<hbm>> -> memref<2000003xf32, #tpu.memory_space<hbm>>
      tpu.wait_indirect_dma semaphore(%arg20 : memref<!tpu.dma_semaphore, #tpu.memory_space<semaphore_mem>>) src(%dma_wait3A_443 : memref<2000003xf32, #tpu.memory_space<hbm>>) dst(%arg12 : memref<6400xf32, #tpu.memory_space<vmem>>)
      %dma_wait3A_444 = arith.constant 0 : i32
      %dma_wait3A_445 = tpu.memref_slice %arg5[%dma_wait3A_444] : memref<2000003xf32, #tpu.memory_space<hbm>> -> memref<2000003xf32, #tpu.memory_space<hbm>>
      tpu.wait_indirect_dma semaphore(%arg20 : memref<!tpu.dma_semaphore, #tpu.memory_space<semaphore_mem>>) src(%dma_wait3A_445 : memref<2000003xf32, #tpu.memory_space<hbm>>) dst(%arg13 : memref<6400xf32, #tpu.memory_space<vmem>>)
      %mul3A_446 = arith.constant 128 : i32
      %mul3A_447 = arith.muli %add3A, %mul3A_446 : i32
      %mul3A_448 = arith.constant 32 : i32
      %mul3A_449 = arith.muli %mul3A_73, %mul3A_448 : i32
      %add3A_450 = arith.addi %mul3A_447, %mul3A_449 : i32
      %mul3A_451 = arith.constant 200 : i32
      %mul3A_452 = arith.muli %add3A_450, %mul3A_451 : i32
      %multiple_of3A_453 = tpu.assume_multiple %mul3A_452, 256 : i32
      %add3A_454 = arith.constant 0 : i32
      %add3A_455 = arith.addi %add3A_454, %multiple_of3A_453 : i32
      %add3A_456 = arith.constant 819200 : i32
      %add3A_457 = arith.addi %add3A_456, %multiple_of3A_453 : i32
      %add3A_458 = arith.constant 1638400 : i32
      %add3A_459 = arith.addi %add3A_458, %multiple_of3A_453 : i32
      %dma_start3A_460 = tpu.memref_slice %arg6[%add3A_455] : memref<2457600xf32, #tpu.memory_space<hbm>> -> memref<6400xf32, #tpu.memory_space<hbm>>
      %dma_start3A_461 = tpu.memref_slice %arg6[%add3A_455] : memref<2457600xf32, #tpu.memory_space<hbm>> -> memref<6400xf32, #tpu.memory_space<hbm>>
      tpu.enqueue_dma source(%arg11 : memref<6400xf32, #tpu.memory_space<vmem>>) target(%dma_start3A_461 : memref<6400xf32, #tpu.memory_space<hbm>>) target_semaphore(%arg22 : memref<!tpu.dma_semaphore, #tpu.memory_space<semaphore_mem>>)
      %dma_start3A_462 = tpu.memref_slice %arg6[%add3A_457] : memref<2457600xf32, #tpu.memory_space<hbm>> -> memref<6400xf32, #tpu.memory_space<hbm>>
      %dma_start3A_463 = tpu.memref_slice %arg6[%add3A_457] : memref<2457600xf32, #tpu.memory_space<hbm>> -> memref<6400xf32, #tpu.memory_space<hbm>>
      tpu.enqueue_dma source(%arg12 : memref<6400xf32, #tpu.memory_space<vmem>>) target(%dma_start3A_463 : memref<6400xf32, #tpu.memory_space<hbm>>) target_semaphore(%arg22 : memref<!tpu.dma_semaphore, #tpu.memory_space<semaphore_mem>>)
      %dma_start3A_464 = tpu.memref_slice %arg6[%add3A_459] : memref<2457600xf32, #tpu.memory_space<hbm>> -> memref<6400xf32, #tpu.memory_space<hbm>>
      %dma_start3A_465 = tpu.memref_slice %arg6[%add3A_459] : memref<2457600xf32, #tpu.memory_space<hbm>> -> memref<6400xf32, #tpu.memory_space<hbm>>
      tpu.enqueue_dma source(%arg13 : memref<6400xf32, #tpu.memory_space<vmem>>) target(%dma_start3A_465 : memref<6400xf32, #tpu.memory_space<hbm>>) target_semaphore(%arg22 : memref<!tpu.dma_semaphore, #tpu.memory_space<semaphore_mem>>)
    }
    %scan3A_9 = arith.constant 2 : i32
    %dma_wait3A = arith.constant 0 : i32
    %dma_wait3A_10 = tpu.memref_slice %arg3[%dma_wait3A] : memref<2000003xf32, #tpu.memory_space<hbm>> -> memref<2000003xf32, #tpu.memory_space<hbm>>
    tpu.wait_indirect_dma semaphore(%arg21 : memref<!tpu.dma_semaphore, #tpu.memory_space<semaphore_mem>>) src(%dma_wait3A_10 : memref<2000003xf32, #tpu.memory_space<hbm>>) dst(%arg17 : memref<6400xf32, #tpu.memory_space<vmem>>)
    %dma_wait3A_11 = arith.constant 0 : i32
    %dma_wait3A_12 = tpu.memref_slice %arg4[%dma_wait3A_11] : memref<2000003xf32, #tpu.memory_space<hbm>> -> memref<2000003xf32, #tpu.memory_space<hbm>>
    tpu.wait_indirect_dma semaphore(%arg21 : memref<!tpu.dma_semaphore, #tpu.memory_space<semaphore_mem>>) src(%dma_wait3A_12 : memref<2000003xf32, #tpu.memory_space<hbm>>) dst(%arg18 : memref<6400xf32, #tpu.memory_space<vmem>>)
    %dma_wait3A_13 = arith.constant 0 : i32
    %dma_wait3A_14 = tpu.memref_slice %arg5[%dma_wait3A_13] : memref<2000003xf32, #tpu.memory_space<hbm>> -> memref<2000003xf32, #tpu.memory_space<hbm>>
    tpu.wait_indirect_dma semaphore(%arg21 : memref<!tpu.dma_semaphore, #tpu.memory_space<semaphore_mem>>) src(%dma_wait3A_14 : memref<2000003xf32, #tpu.memory_space<hbm>>) dst(%arg19 : memref<6400xf32, #tpu.memory_space<vmem>>)
    %mul3A_15 = arith.constant 128 : i32
    %mul3A_16 = arith.muli %add3A, %mul3A_15 : i32
    %add3A_17 = arith.constant 96 : i32
    %add3A_18 = arith.addi %mul3A_16, %add3A_17 : i32
    %mul3A_19 = arith.constant 200 : i32
    %mul3A_20 = arith.muli %add3A_18, %mul3A_19 : i32
    %multiple_of3A_21 = tpu.assume_multiple %mul3A_20, 256 : i32
    %add3A_22 = arith.constant 0 : i32
    %add3A_23 = arith.addi %add3A_22, %multiple_of3A_21 : i32
    %add3A_24 = arith.constant 819200 : i32
    %add3A_25 = arith.addi %add3A_24, %multiple_of3A_21 : i32
    %add3A_26 = arith.constant 1638400 : i32
    %add3A_27 = arith.addi %add3A_26, %multiple_of3A_21 : i32
    %dma_start3A = tpu.memref_slice %arg6[%add3A_23] : memref<2457600xf32, #tpu.memory_space<hbm>> -> memref<6400xf32, #tpu.memory_space<hbm>>
    %dma_start3A_28 = tpu.memref_slice %arg6[%add3A_23] : memref<2457600xf32, #tpu.memory_space<hbm>> -> memref<6400xf32, #tpu.memory_space<hbm>>
    tpu.enqueue_dma source(%arg17 : memref<6400xf32, #tpu.memory_space<vmem>>) target(%dma_start3A_28 : memref<6400xf32, #tpu.memory_space<hbm>>) target_semaphore(%arg23 : memref<!tpu.dma_semaphore, #tpu.memory_space<semaphore_mem>>)
    %dma_start3A_29 = tpu.memref_slice %arg6[%add3A_25] : memref<2457600xf32, #tpu.memory_space<hbm>> -> memref<6400xf32, #tpu.memory_space<hbm>>
    %dma_start3A_30 = tpu.memref_slice %arg6[%add3A_25] : memref<2457600xf32, #tpu.memory_space<hbm>> -> memref<6400xf32, #tpu.memory_space<hbm>>
    tpu.enqueue_dma source(%arg18 : memref<6400xf32, #tpu.memory_space<vmem>>) target(%dma_start3A_30 : memref<6400xf32, #tpu.memory_space<hbm>>) target_semaphore(%arg23 : memref<!tpu.dma_semaphore, #tpu.memory_space<semaphore_mem>>)
    %dma_start3A_31 = tpu.memref_slice %arg6[%add3A_27] : memref<2457600xf32, #tpu.memory_space<hbm>> -> memref<6400xf32, #tpu.memory_space<hbm>>
    %dma_start3A_32 = tpu.memref_slice %arg6[%add3A_27] : memref<2457600xf32, #tpu.memory_space<hbm>> -> memref<6400xf32, #tpu.memory_space<hbm>>
    tpu.enqueue_dma source(%arg19 : memref<6400xf32, #tpu.memory_space<vmem>>) target(%dma_start3A_32 : memref<6400xf32, #tpu.memory_space<hbm>>) target_semaphore(%arg23 : memref<!tpu.dma_semaphore, #tpu.memory_space<semaphore_mem>>)
    %mul3A_33 = arith.constant 128 : i32
    %mul3A_34 = arith.muli %add3A, %mul3A_33 : i32
    %add3A_35 = arith.constant 64 : i32
    %add3A_36 = arith.addi %mul3A_34, %add3A_35 : i32
    %mul3A_37 = arith.constant 200 : i32
    %mul3A_38 = arith.muli %add3A_36, %mul3A_37 : i32
    %multiple_of3A_39 = tpu.assume_multiple %mul3A_38, 256 : i32
    %add3A_40 = arith.constant 0 : i32
    %add3A_41 = arith.addi %add3A_40, %multiple_of3A_39 : i32
    %add3A_42 = arith.constant 819200 : i32
    %add3A_43 = arith.addi %add3A_42, %multiple_of3A_39 : i32
    %add3A_44 = arith.constant 1638400 : i32
    %add3A_45 = arith.addi %add3A_44, %multiple_of3A_39 : i32
    %dma_wait3A_46 = tpu.memref_slice %arg6[%add3A_41] : memref<2457600xf32, #tpu.memory_space<hbm>> -> memref<6400xf32, #tpu.memory_space<hbm>>
    %dma_wait3A_47 = tpu.memref_slice %arg6[%add3A_41] : memref<2457600xf32, #tpu.memory_space<hbm>> -> memref<6400xf32, #tpu.memory_space<hbm>>
    tpu.wait_dma2 semaphore(%arg22 : memref<!tpu.dma_semaphore, #tpu.memory_space<semaphore_mem>>) src(%arg11 : memref<6400xf32, #tpu.memory_space<vmem>>) dst(%dma_wait3A_47 : memref<6400xf32, #tpu.memory_space<hbm>>)
    %dma_wait3A_48 = tpu.memref_slice %arg6[%add3A_43] : memref<2457600xf32, #tpu.memory_space<hbm>> -> memref<6400xf32, #tpu.memory_space<hbm>>
    %dma_wait3A_49 = tpu.memref_slice %arg6[%add3A_43] : memref<2457600xf32, #tpu.memory_space<hbm>> -> memref<6400xf32, #tpu.memory_space<hbm>>
    tpu.wait_dma2 semaphore(%arg22 : memref<!tpu.dma_semaphore, #tpu.memory_space<semaphore_mem>>) src(%arg12 : memref<6400xf32, #tpu.memory_space<vmem>>) dst(%dma_wait3A_49 : memref<6400xf32, #tpu.memory_space<hbm>>)
    %dma_wait3A_50 = tpu.memref_slice %arg6[%add3A_45] : memref<2457600xf32, #tpu.memory_space<hbm>> -> memref<6400xf32, #tpu.memory_space<hbm>>
    %dma_wait3A_51 = tpu.memref_slice %arg6[%add3A_45] : memref<2457600xf32, #tpu.memory_space<hbm>> -> memref<6400xf32, #tpu.memory_space<hbm>>
    tpu.wait_dma2 semaphore(%arg22 : memref<!tpu.dma_semaphore, #tpu.memory_space<semaphore_mem>>) src(%arg13 : memref<6400xf32, #tpu.memory_space<vmem>>) dst(%dma_wait3A_51 : memref<6400xf32, #tpu.memory_space<hbm>>)
    %mul3A_52 = arith.constant 128 : i32
    %mul3A_53 = arith.muli %add3A, %mul3A_52 : i32
    %add3A_54 = arith.constant 96 : i32
    %add3A_55 = arith.addi %mul3A_53, %add3A_54 : i32
    %mul3A_56 = arith.constant 200 : i32
    %mul3A_57 = arith.muli %add3A_55, %mul3A_56 : i32
    %multiple_of3A_58 = tpu.assume_multiple %mul3A_57, 256 : i32
    %add3A_59 = arith.constant 0 : i32
    %add3A_60 = arith.addi %add3A_59, %multiple_of3A_58 : i32
    %add3A_61 = arith.constant 819200 : i32
    %add3A_62 = arith.addi %add3A_61, %multiple_of3A_58 : i32
    %add3A_63 = arith.constant 1638400 : i32
    %add3A_64 = arith.addi %add3A_63, %multiple_of3A_58 : i32
    %dma_wait3A_65 = tpu.memref_slice %arg6[%add3A_60] : memref<2457600xf32, #tpu.memory_space<hbm>> -> memref<6400xf32, #tpu.memory_space<hbm>>
    %dma_wait3A_66 = tpu.memref_slice %arg6[%add3A_60] : memref<2457600xf32, #tpu.memory_space<hbm>> -> memref<6400xf32, #tpu.memory_space<hbm>>
    tpu.wait_dma2 semaphore(%arg23 : memref<!tpu.dma_semaphore, #tpu.memory_space<semaphore_mem>>) src(%arg17 : memref<6400xf32, #tpu.memory_space<vmem>>) dst(%dma_wait3A_66 : memref<6400xf32, #tpu.memory_space<hbm>>)
    %dma_wait3A_67 = tpu.memref_slice %arg6[%add3A_62] : memref<2457600xf32, #tpu.memory_space<hbm>> -> memref<6400xf32, #tpu.memory_space<hbm>>
    %dma_wait3A_68 = tpu.memref_slice %arg6[%add3A_62] : memref<2457600xf32, #tpu.memory_space<hbm>> -> memref<6400xf32, #tpu.memory_space<hbm>>
    tpu.wait_dma2 semaphore(%arg23 : memref<!tpu.dma_semaphore, #tpu.memory_space<semaphore_mem>>) src(%arg18 : memref<6400xf32, #tpu.memory_space<vmem>>) dst(%dma_wait3A_68 : memref<6400xf32, #tpu.memory_space<hbm>>)
    %dma_wait3A_69 = tpu.memref_slice %arg6[%add3A_64] : memref<2457600xf32, #tpu.memory_space<hbm>> -> memref<6400xf32, #tpu.memory_space<hbm>>
    %dma_wait3A_70 = tpu.memref_slice %arg6[%add3A_64] : memref<2457600xf32, #tpu.memory_space<hbm>> -> memref<6400xf32, #tpu.memory_space<hbm>>
    tpu.wait_dma2 semaphore(%arg23 : memref<!tpu.dma_semaphore, #tpu.memory_space<semaphore_mem>>) src(%arg19 : memref<6400xf32, #tpu.memory_space<vmem>>) dst(%dma_wait3A_70 : memref<6400xf32, #tpu.memory_space<hbm>>)
    return
  }
}

</mosaic_0001>

<sc_bundles>
// kernel: kernel.3.cloned.1.call-start
scs
__scs_entry_jumppad:
0x0: {  	(pc) =	sbr.rel $0x88, $3  }
0x1: {  	(tag) =	ssettag $0x0;
	lr =	simm.s32 $0x1  }
0x2: {  	[smem:$0x3F9D] =	sst lr;
	_ =	strace $0xD0000000  }
0x3: {  	_ = 	snop  }
0x4: {  	_ = 	snop  }
0x5: {  	_ = 	snop  }
0x6: {  	_ = 	snop  }
0x7: {  	_ = 	snop  }
__scs_overlays_trampoline_lowered:
0x8: {  	[smem:$0x3FAC] =	sst s0  }
0x9: {  	[smem:$0x3FAD] =	sst s1  }
0xa: {  	[smem:$0x3FAE] =	sst s2  }
0xb: {  	[smem:$0x3FAF] =	sst s3  }
0xc: {  	[smem:$0x3FB0] =	sst s4  }
0xd: {  	[smem:$0x3FB1] =	sst s5  }
0xe: {  	[smem:$0x3FB2] =	sst s6  }
0xf: {  	[smem:$0x3FB3] =	sst s7  }
0x10: {  	[smem:$0x3FB4] =	sst s8  }
0x11: {  	[smem:$0x3FB5] =	sst s9;
	s0 =	simm.s32 @!p0 $0x0  }
0x12: {  	s1 =	sld [smem:$0x3F9B];
	s0 =	simm.s32 @p0 $0x1  }
0x13: {  	[smem:$0x3FB6] =	sst s0;
	s0 =	simm.s32 @!p1 $0x0  }
0x14: {  	s2 =	sld [smem:$0x3F9A];
	s0 =	simm.s32 @p1 $0x1  }
0x15: {  	[smem:$0x3FB7] =	sst s0;
	s0 =	simm.s32 @!p2 $0x0  }
0x16: {  	s3 =	sld [smem:$0x3FDB];
	s0 =	simm.s32 @p2 $0x1  }
0x17: {  	s4 =	simm.s32 $0x1BF5;
	[smem:$0x3FB9] =	sst s0  }
0x18: {  	s0 =	sld [smem:$0x3F9C];
	_ =	swait.ge [sflag:s4], $0x0  }
0x19: {  	s7 =	sld [smem:$0x3F9D]  }
0x1a: {  	s8 =	sadd.s32 $0xFFFFE003, lr  }
0x1b: {  	s9 =	sadd.s32 $0xFFFFFEF7, lr;
	s5 =	simm.s32 $0xFFFFFFFF;
	p2 =	slt.u32 s8, $0xFFFFF086  }
0x1c: {  	p1 =	slt.u32 s9, $0xF7A;
	s5 =	simm.s32 @!p2 $0x0  }
0x1d: {  	s5 =	simm.s32 @p1 $0x1;
	p0 =	seq.s32 s7, s2  }
0x1e: {  	s7 =	smul.u32 @!p0 $0xF7A, s2;
	p2 =	seq.s32 @!p0 s5, $0x0  }
0x1f: {  	s9 =	smul.u32 $0xF7A, s1;
	s8 =	simm.s32 @!p0 $0x1BF5;
	p2 =	por !p2, p0  }
0x20: {  	[sflag:s8] =	ssyncset.s32 @!p0 $0xFFFFF086;
	s6 =	sadd.s32 @!p0 s3, s7;
	s7 =	simm.s32 @!p0 $0x108  }
0x21: {  	s3 =	sadd.s32 s3, s9;
	s6 =	sadd.s32 @!p0 $0x88, s6;
	s7 =	simm.s32 @p2 $0x1082  }
0x22: {  	[simem:s7], [sflag:s8] =	dma.local @!p0 [hbm:s6], $0xF7A  }
0x23: {  	s9 =	sor.u32 $0xD0000000, s2;
	s6 =	simm.s32 $0x108;
	_ =	swait.ge @!p0 [sflag:s8], $0x0  }
0x24: {  	s3 =	sadd.s32 $0x88, s3;
	s6 =	simm.s32 @!p1 $0x1082;
	[sflag:s4] =	ssyncset.s32 $0xFFFFF086  }
0x25: {  	[simem:s6], [sflag:s4] =	dma.local [hbm:s3], $0xF7A  }
0x26: {  	[smem:$0x3F9D] =	sst s1;
	(tag) =	ssettag s2;
	_ =	strace s9  }
0x27: {  	s1 =	sld [smem:$0x3FAD]  }
0x28: {  	s2 =	sld [smem:$0x3FAE]  }
0x29: {  	s4 =	sld [smem:$0x3FB0]  }
0x2a: {  	p0 =	seq.s32 s5, $0x0;
	s5 =	sld [smem:$0x3FB1]  }
0x2b: {  	s6 =	sld [smem:$0x3FB2]  }
0x2c: {  	s7 =	sld [smem:$0x3FB3]  }
0x2d: {  	s3 =	simm.s32 $0x108;
	s8 =	sld [smem:$0x3FB4]  }
0x2e: {  	s3 =	simm.s32 @!p0 $0x1082;
	s9 =	sld [smem:$0x3FB5]  }
0x2f: {  	lr =	sadd.s32 s0, s3;
	s0 =	sld [smem:$0x3FAC]  }
0x30: {  	s3 =	sld [smem:$0x3FAF]  }
0x31: {  	[smem:$0x3FB8] =	sst s10  }
0x32: {  	s10 =	sld [smem:$0x3FB6];
	_ =	sdelay $0x3  }
0x33: {  	p0 =	seq.s32 s10, $0x1;
	s10 =	sld [smem:$0x3FB8];
	_ =	sdelay $0x3  }
0x34: {  	[smem:$0x3FB8] =	sst s10  }
0x35: {  	s10 =	sld [smem:$0x3FB7];
	_ =	sdelay $0x3  }
0x36: {  	p1 =	seq.s32 s10, $0x1;
	s10 =	sld [smem:$0x3FB8];
	_ =	sdelay $0x3  }
0x37: {  	[smem:$0x3FB8] =	sst s10  }
0x38: {  	s10 =	sld [smem:$0x3FB9]  }
0x39: {  	_ = 	snop;
	(pc) =	sbr.ind lr, $3  }
0x3a: {  	_ = 	snop  }
0x3b: {  	_ = 	snop  }
0x3c: {  	p2 =	seq.s32 s10, $0x1;
	s10 =	sld [smem:$0x3FB8]  }
0x3d: {  	_ =	shalt  }
0x3e: {  	_ =	shalt  }
0x3f: {  	_ =	shalt  }
0x40: {  	_ =	shalt  }
0x41: {  	_ =	shalt  }
0x42: {  	_ =	shalt  }
0x43: {  	_ =	shalt  }
0x44: {  	_ =	shalt  }
0x45: {  	_ =	shalt  }
0x46: {  	_ =	shalt  }
0x47: {  	_ =	shalt  }
0x48: {  	_ =	shalt  }
0x49: {  	_ =	shalt  }
0x4a: {  	_ =	shalt  }
0x4b: {  	_ =	shalt  }
0x4c: {  	_ =	shalt  }
0x4d: {  	_ =	shalt  }
0x4e: {  	_ =	shalt  }
0x4f: {  	_ =	shalt  }
0x50: {  	_ =	shalt  }
0x51: {  	_ =	shalt  }
0x52: {  	_ =	shalt  }
0x53: {  	_ =	shalt  }
0x54: {  	_ =	shalt  }
0x55: {  	_ =	shalt  }
0x56: {  	_ =	shalt  }
0x57: {  	_ =	shalt  }
0x58: {  	_ =	shalt  }
0x59: {  	_ =	shalt  }
0x5a: {  	_ =	shalt  }
0x5b: {  	_ =	shalt  }
0x5c: {  	_ =	shalt  }
0x5d: {  	_ =	shalt  }
0x5e: {  	_ =	shalt  }
0x5f: {  	_ =	shalt  }
0x60: {  	_ =	shalt  }
0x61: {  	_ =	shalt  }
0x62: {  	_ =	shalt  }
0x63: {  	_ =	shalt  }
0x64: {  	_ =	shalt  }
0x65: {  	_ =	shalt  }
0x66: {  	_ =	shalt  }
0x67: {  	_ =	shalt  }
0x68: {  	_ =	shalt  }
0x69: {  	_ =	shalt  }
0x6a: {  	_ =	shalt  }
0x6b: {  	_ =	shalt  }
0x6c: {  	_ =	shalt  }
0x6d: {  	_ =	shalt  }
0x6e: {  	_ =	shalt  }
0x6f: {  	_ =	shalt  }
0x70: {  	_ =	shalt  }
0x71: {  	_ =	shalt  }
0x72: {  	_ =	shalt  }
0x73: {  	_ =	shalt  }
0x74: {  	_ =	shalt  }
0x75: {  	_ =	shalt  }
0x76: {  	_ =	shalt  }
0x77: {  	_ =	shalt  }
0x78: {  	_ =	shalt  }
0x79: {  	_ =	shalt  }
0x7a: {  	_ =	shalt  }
0x7b: {  	_ =	shalt  }
0x7c: {  	_ =	shalt  }
0x7d: {  	_ =	shalt  }
0x7e: {  	_ =	shalt  }
0x7f: {  	_ =	shalt  }
0x80: {  	_ =	shalt  }
0x81: {  	_ =	shalt  }
0x82: {  	_ =	shalt  }
0x83: {  	_ =	shalt  }
0x84: {  	_ =	shalt  }
0x85: {  	_ =	shalt  }
0x86: {  	_ =	shalt  }
0x87: {  	_ =	shalt  }
.Lfunc_end0:
.L_simem_size_0:
called_computation_lowered:
.L_overlay_start_0:
0x88: {  	s2 =	sld [smem:$0x3FD9]  }
0x89: {  	s3 =	sld [smem:$0x3FFE];
	_ =	sdelay $0x1  }
0x8a: {  	s1 =	srdreg.scid  }
0x8b: {  	s0 =	sand.u32 $0x1, s1  }
0x8c: {  	s17 =	sshll.u32 s0, $0xA;
	s2 =	sadd.s32 s3, s2  }
0x8d: {  	s2 =	sadd.s32 s2, s17  }
0x8e: {  	[smem:$0x3FC4] =	sst s2  }
0x8f: {  	_ = 	snop  }
0x90: {  	s2 =	sld [smem:$0x3FC8]  }
0x91: {  	s18 =	sld [smem:$0x3FC7]  }
0x92: {  	s4 =	sld [smem:$0x3FC6]  }
0x93: {  	s5 =	sld [smem:$0x3FD0];
	(tm) =	ssettm $0x1  }
0x94: {  	s6 =	sld [smem:$0x3FFB];
	_ =	sdelay $0x3  }
0x95: {  	_ =	strace s6  }
0x96: {  	s6 =	sld [smem:$0x3FFC];
	_ =	sdelay $0x3  }
0x97: {  	_ =	strace s6  }
0x98: {  	s6 =	sld [smem:$0x3FFD];
	_ =	sdelay $0x3  }
0x99: {  	_ =	strace s6  }
0x9a: {  	_ =	strace $0x8FFFFFFF  }
0x9b: {  	s19 =	sld [smem:$0x3FDB];
	_ =	sdelay $0x1  }
0x9c: {  	s7 =	simm.s32 $_scs_section_size  }
0x9d: {  	s8 =	simm.s32 $_size__tile_overlayer_lowered;
	s9 =	simm.s32 $_tile_overlayer_lowered  }
0x9e: {  	s22 =	simm.s32 $0x1BFF;
	s21 =	sshll.u32 s9, $0x1;
	s6 =	sadd.s32 s7, s19  }
0x9f: {  	s10 =	simm.s32 $0x0;
	s20 =	sshll.u32 s8, $0x1;
	s8 =	sadd.s32 s21, s6  }
0xa0: {  	[timem:s10], [sflag:s22] =	dma.local [hbm:s8], s20  }
0xa1: {  	_ =	swait.ge [sflag:s22], s20  }
0xa2: {  	s7 =	ssub.s32 $0x0, s20;
	[sflag:s22] =	ssyncset.done $0x0  }
0xa3: {  	[sflag:s22] =	ssyncadd.s32 s7;
	_ =	sdelay $0x1  }
0xa4: {  	s23 =	simm.s32 $0x1B8B  }
0xa5: {  	_ =	swait.ge [sflag:s23], $0x1  }
0xa6: {  	[sflag:s23] =	ssyncset.done $0x0  }
0xa7: {  	s25 =	simm.s32 $0x1B8E;
	s24 =	sld [smem:$0x3FFE];
	[sflag:s23] =	ssyncadd.s32 $0xFFFFFFFF  }
0xa8: {  	s26 =	simm.s32 $execute0_lowered;
	[smem:$0x3FD2] =	sst s25  }
0xa9: {  	s8 =	sshll.u32 s26, $0x1;
	_ =	strace $0x80000046;
	[dreg:$0x1] =	wrdreg $0xFFFFFFFF  }
0xaa: {  	s28 =	simm.s32 $_size_execute0_lowered;
	s6 =	sadd.s32 s6, s8;
	[dreg:$0x0] =	wrdreg $0x0  }
0xab: {  	s8 =	sshll.u32 s28, $0x1;
	[dreg:$0x2] =	wrdreg s6  }
0xac: {  	[dreg:$0x3] =	wrdreg s8  }
0xad: {  	[dreg:$0x4] =	wrdreg $0xC0  }
0xae: {  	_ =	task [dreg:s10], $0x5FFFF  }
0xaf: {  	[dreg:$0x1] =	wrdreg $0xFFFFFFFF  }
0xb0: {  	[dreg:$0x0] =	wrdreg $0x60  }
0xb1: {  	[dreg:$0x2] =	wrdreg s24  }
0xb2: {  	[dreg:$0x3] =	wrdreg s2  }
0xb3: {  	[dreg:$0x4] =	wrdreg s18  }
0xb4: {  	[dreg:$0x5] =	wrdreg s4  }
0xb5: {  	[dreg:$0x6] =	wrdreg s5  }
0xb6: {  	[dreg:$0x7] =	wrdreg $0x9  }
0xb7: {  	_ =	task.clear_ibuf [dreg:s10], $0x8FFFF;
	_ =	strace $0x90000046  }
0xb8: {  	s29 =	simm.s32 $0x9;
	_ =	strace $0x80000048  }
0xb9: {  	_ =	swait.ge [sflag:s29], $0x1  }
0xba: {  	[sflag:s29] =	ssyncadd.s32 $0xFFFFFFFF  }
0xbb: {  	_ =	strace $0x90000048  }
0xbc: {  	_ =	sfence  }
0xbd: {  	s30 =	sld [smem:$0x0];
	_ =	sdelay $0x2  }
0xbe: {  	s31 =	sshll.u32 s1, $0xD;
	s1 =	sshrl.u32 s1, $0x2  }
0xbf: {  	s3 =	sand.u32 $0x4000, s31;
	s1 =	sadd.s32 s1, s30  }
0xc0: {  	s0 =	sor.u32 s3, s0;
	s1 =	sshll.u32 s1, $0x11  }
0xc1: {  	s0 =	sor.u32 s1, s0  }
0xc2: {  	s0 =	sadd.s32 $0x8F2B, s0  }
0xc3: {  	[sflag:s0] =	ssyncadd.remote.s32 $0x1  }
0xc4: {  	_ =	sfence.sel $0xFFFF  }
0xc5: {  	[dreg:$0x0] =	wrdreg $0xFFFFFFFF;
	(pc) =	sbr.abs _section_cstart, $3  }
0xc6: {  	[dreg:$0x1] =	wrdreg $0xFFFFFFFF  }
0xc7: {  	_ =	task.clear_ibuf [dreg:s10], $0x2FFFF;
	_ =	strace $0x9FFFFFFF  }
0xc8: {  	(tm) =	ssettm $0x7FFFFFFF  }
0xc9: {  	_ =	shalt  }
tec
execute0_lowered:
.L_overlay_start_1:
0x0: {  	(tag) =	ssettag $0x1  }
0x1: {  	v0 =	vimm.s32 $0xBC6;
	vm6 =	vcmask $0x300;
	vm5 =	vcmask $0x704  }
0x2: {  	vm4 =	vcmask $0xB08;
	vm3 =	vcmask $0xF0C;
	vm2 =	vcmask $0x1310  }
0x3: {  	vm1 =	vcmask $0x1714;
	v1 =	vimm.s32 $0x22591047;
	v2 =	vimm.s32 $0x467D346B  }
0x4: {  	vm0 =	vcmask $0x1B18;
	vm7 =	vcmask $0x1F10;
	v3 =	vimm.s32 $0x5A114800  }
0x5: {  	v4 =	vimm.s32 $0x21580F46;
	v5 =	vimm.s32 $0x457C336A;
	v6 =	vimm.s32 $0x59104800  }
0x6: {  	v7 =	vimm.s32 $0x7D346B22;
	v8 =	vimm.s32 $0x20570E45;
	v9 =	vimm.s32 $0x447B3269  }
0x7: {  	v10 =	vimm.s32 $0x58104800;
	v11 =	vimm.s32 $0x7C336A21;
	vm13 =	vcmask $0x1F1C  }
0x8: {  	vm14 =	vcmask $0x2320;
	vm15 =	vcmask $0x2724;
	v0 =	vsel vm6, $0x0, v0  }
0x9: {  	v1 =	vunpack.c.0.s8.s32 v1;
	v2 =	vunpack.c.0.s8.s32 v2;
	v4 =	vunpack.c.0.s8.s32 v4  }
0xa: {  	v5 =	vunpack.c.0.s8.s32 v5;
	v6 =	vunpack.c.0.s8.s32 v6;
	v7 =	vunpack.c.0.s8.s32 v7  }
0xb: {  	v8 =	vunpack.c.0.s8.s32 v8;
	v9 =	vunpack.c.0.s8.s32 v9;
	v0 =	vsel vm5, $0xC8, v0  }
0xc: {  	v0 =	vsel vm4, $0x191, v0;
	v1 =	vsel vm7, v2, v1;
	v2 =	vunpack.c.0.s8.s32 v3  }
0xd: {  	v3 =	vimm.s32 $0x7E356C23;
	v4 =	vsel vm7, v5, v4;
	v7 =	vsel vm7, v7, v6  }
0xe: {  	v5 =	vsel vm7, v9, v8;
	v8 =	vimm.s32 $0xBC4;
	v9 =	vimm.s32 $0x1846  }
0xf: {  	v0 =	vsel vm3, $0x25A, v0;
	v3 =	vunpack.c.0.s8.s32 v3;
	v8 =	vsel vm6, $0x0, v8  }
0x10: {  	v9 =	vsel vm6, $0xC80, v9;
	v0 =	vsel vm2, $0x323, v0;
	v8 =	vsel vm5, $0xC8, v8  }
0x11: {  	v9 =	vsel vm5, $0xD48, v9;
	v0 =	vsel vm1, $0x3EC, v0;
	v2 =	vsel vm7, v3, v2  }
0x12: {  	v3 =	vunpack.c.0.s8.s32 v10;
	v10 =	vunpack.c.0.s8.s32 v11;
	v11 =	vimm.s32 $0x1844  }
0x13: {  	v8 =	vsel vm4, $0x190, v8;
	v9 =	vsel vm4, $0xE11, v9;
	v0 =	vsel vm0, $0x4B5, v0  }
0x14: {  	v11 =	vsel vm6, $0xC80, v11;
	v8 =	vsel vm3, $0x258, v8;
	v9 =	vsel vm3, $0xEDA, v9  }
0x15: {  	v6 =	vsel vm7, v10, v3;
	v3 =	vimm.s32 $0xBC5;
	v0 =	vsel vm13, $0x57E, v0  }
0x16: {  	v10 =	vimm.s32 $0x1845;
	v11 =	vsel vm5, $0xD48, v11;
	v8 =	vsel vm2, $0x321, v8  }
0x17: {  	v9 =	vsel vm2, $0xFA3, v9;
	v3 =	vsel vm6, $0x0, v3;
	v10 =	vsel vm6, $0xC80, v10  }
0x18: {  	v0 =	vsel vm14, $0x647, v0;
	v11 =	vsel vm4, $0xE10, v11;
	v8 =	vsel vm1, $0x3EA, v8  }
0x19: {  	v9 =	vsel vm1, $0x106C, v9;
	v5 =	vcombine.low v6, v5;
	v6 =	vlaneseq.u32  }
0x1a: {  	v3 =	vsel vm5, $0xC8, v3;
	v10 =	vsel vm5, $0xD48, v10;
	v11 =	vsel vm3, $0xED8, v11  }
0x1b: {  	v0 =	vsel vm15, $0x710, v0;
	v8 =	vsel vm0, $0x4B3, v8;
	v9 =	vsel vm0, $0x1135, v9  }
0x1c: {  	v6 =	vmul.u32 $0xC8, v6;
	v3 =	vsel vm4, $0x190, v3;
	v10 =	vsel vm4, $0xE10, v10  }
0x1d: {  	v11 =	vsel vm2, $0xFA1, v11;
	v8 =	vsel vm13, $0x57C, v8;
	v9 =	vsel vm13, $0x11FE, v9  }
0x1e: {  	v3 =	vsel vm3, $0x259, v3;
	v10 =	vsel vm3, $0xED9, v10;
	v11 =	vsel vm1, $0x106A, v11  }
0x1f: {  	v8 =	vsel vm14, $0x645, v8;
	v9 =	vsel vm14, $0x12C7, v9;
	v3 =	vsel vm2, $0x322, v3  }
0x20: {  	s1 =	rddreg [dreg:$0x0];
	v10 =	vsel vm2, $0xFA2, v10;
	vm2 =	vcmask $0x2B28;
	v11 =	vsel vm0, $0x1133, v11  }
0x21: {  	s0 =	rddreg [dreg:$0x1];
	v8 =	vsel vm15, $0x70E, v8;
	v9 =	vsel vm15, $0x1390, v9;
	v3 =	vsel vm1, $0x3EB, v3  }
0x22: {  	s2 =	rddreg [dreg:$0x2];
	s4 =	srdreg.scid;
	v10 =	vsel vm1, $0x106B, v10;
	v0 =	vsel vm2, $0x7D9, v0;
	v11 =	vsel vm13, $0x11FC, v11  }
0x23: {  	s5 =	stileid.u32;
	s3 =	rddreg [dreg:$0x3];
	s16 =	simm.s32 $0x5;
	vm1 =	vcmask $0x3330;
	v3 =	vsel vm0, $0x4B4, v3;
	v10 =	vsel vm0, $0x1134, v10  }
0x24: {  	s17 =	simm.s32 $0x6400;
	s18 =	simm.s32 $0x7D00;
	s19 =	simm.s32 $0x9600;
	vm0 =	vcmask $0x2F2C;
	v11 =	vsel vm14, $0x12C5, v11;
	v3 =	vsel vm13, $0x57D, v3  }
0x25: {  	s20 =	simm.s32 $0x1900;
	s21 =	simm.s32 $0xAF00;
	s22 =	simm.s32 $0xC800;
	v10 =	vsel vm13, $0x11FD, v10;
	v0 =	vsel vm0, $0x8A2, v0;
	v3 =	vsel vm14, $0x646, v3  }
0x26: {  	s23 =	simm.s32 $0xE100;
	s28 =	simm.s32 $0x14500;
	s29 =	simm.s32 $0x15E00;
	v11 =	vsel vm15, $0x138E, v11;
	v10 =	vsel vm14, $0x12C6, v10;
	v3 =	vsel vm15, $0x70F, v3  }
0x27: {  	s30 =	simm.s32 $0x17700;
	s4 =	sand.u32 $0x1, s4;
	s6 =	sshll.u32 s5, $0x1;
	v12 =	vsel vm1, $0x96B, v0;
	v10 =	vsel vm15, $0x138F, v10;
	v0 =	vsel vm2, $0x7D8, v3  }
0x28: {  	s31 =	simm.s32 $0x2;
	s5 =	rddreg [dreg:$0x4];
	s7 =	sor.u32 s4, s6;
	v3 =	vsel vm2, $0x7D7, v8;
	v8 =	vsel vm2, $0x1459, v9;
	v9 =	vsel vm2, $0x1458, v10  }
0x29: {  	s6 =	simm.s32 $0x0;
	s4 =	ssub.s32 $0x2, s4;
	s8 =	smul.u32 $0x6400, s7;
	v10 =	vsel vm2, $0x1457, v11;
	vm2 =	vcmask $0x3734;
	v11 =	vsel vm0, $0x8A1, v0  }
0x2a: {  	[smem:$0x7FF] =	sst s6;
	s9 =	smul.u32 $0xC80, s7;
	s10 =	sshrl.u32 s4, $0x1;
	v3 =	vsel vm0, $0x8A0, v3;
	v8 =	vsel vm0, $0x1522, v8;
	v9 =	vsel vm0, $0x1521, v9  }
0x2b: {  	s11 =	sshll.u32 s7, $0x7;
	s7 =	simm.s32 $0x0;
	_ =	strace $0x80000047;
	v10 =	vsel vm0, $0x1520, v10;
	v0 =	vcombine.low v2, v1;
	v1 =	vsel vm2, $0xA34, v12  }
0x2c: {  	s4 =	ssub.s32 s4, s10;
	s8 =	sshrl.u32 s8, $0x3;
	s1 =	sadd.s32 s9, s1;
	v2 =	vsel vm1, $0x96A, v11;
	v3 =	vsel vm1, $0x969, v3;
	v8 =	vsel vm1, $0x15EB, v8  }
0x2d: {  	s15 =	smax.u32 s4, $0x1;
	s12 =	sadd.s32 s5, s8;
	s1 =	sadd.s32 $0x400, s1;
	v9 =	vsel vm1, $0x15EA, v9;
	v10 =	vsel vm1, $0x15E9, v10;
	vm1 =	vcmask $0x3B38  }
0x2e: {  	s4 =	simm.s32 $0x3;
	[dreg:$0x6] =	wrdreg s1;
	s24 =	sadd.s32 $0x960, s12;
	vm0 =	vmmov $0x3;
	v1 =	vsel vm1, $0xAFD, v1;
	v2 =	vsel vm2, $0xA33, v2  }
0x2f: {  	s8 =	sadd.s32 $0x320, s12;
	s25 =	sadd.s32 $0x19960, s12;
	[dreg:$0x7] =	wrdreg s24;
	v11 =	vsel vm2, $0xA32, v3;
	v3 =	vcombine.low v7, v4;
	v7 =	vsel vm2, $0x16B4, v8  }
0x30: {  	s9 =	sadd.s32 $0x19320, s12;
	s26 =	sadd.s32 $0x32960, s12;
	[dreg:$0x8] =	wrdreg s25;
	v8 =	vsel vm2, $0x16B3, v9;
	v9 =	vsel vm2, $0x16B2, v10;
	v10 =	vadd.s32 $0xC80, v6  }
0x31: {  	s10 =	sadd.s32 $0x32320, s12;
	s1 =	simm.s32 $0x4;
	[dreg:$0x9] =	wrdreg s26;
	v2 =	vsel vm1, $0xAFC, v2;
	v4 =	vsel vm1, $0xAFB, v11;
	v7 =	vsel vm1, $0x177D, v7  }
0x32: {  	s24 =	simm.s32 $0xFA00;
	s25 =	simm.s32 $0x11300;
	s26 =	simm.s32 $0x12C00;
	v8 =	vsel vm1, $0x177C, v8;
	v9 =	vsel vm1, $0x177B, v9;
	vm1 =	vmmov $0x7  }
.LBB2_1:
0x33: {  	s12 =	rddreg [dreg:$0x6]  }
0x34: {  	[tilespmem:s6], [sflag:$0x5] =	stream.linear.gather [hbm4b:s12+s6], $0x6400, $0x38;
	[tilespmem:$0x19000] =	vst v63  }
0x35: {  	_ =	swait.ge [sflag:s16], $0x6400  }
0x36: {  	p2 =	por $0x1, $0x1;
	[sflag:s16] =	ssyncset.done $0x0  }
0x37: {  	p0 =	por $0x0, $0x0;
	s12 =	simm.s32 $0x0;
	[sflag:s16] =	ssyncadd.s32 $0xFFFF9C00  }
.LBB2_2:
0x38: {  	s13 =	smul.u32 $0x3200, s12;
	_ =	sdelay $0x1  }
0x39: {  	v11 =	vadd.s32 s13, v2  }
0x3a: {  	v12 =	vadd.s32 s13, v4;
	v11 =	vand.u32 $0x7F80, v11  }
0x3b: {  	v13 =	vadd.s32 s13, v1;
	v12 =	vand.u32 $0x7F80, v12;
	v11 =	vor.u32 v3, v11  }
0x3c: {  	v13 =	vand.u32 $0x7F80, v13;
	v12 =	vor.u32 v5, v12  }
0x3d: {  	v13 =	vor.u32 v0, v13  }
0x3e: {  	v14 =	vadd.s32 s13, v8  }
0x3f: {  	v15 =	vadd.s32 s13, v9;
	v14 =	vand.u32 $0x7F80, v14  }
0x40: {  	v16 =	vadd.s32 s13, v7;
	v15 =	vand.u32 $0x7F80, v15;
	v14 =	vor.u32 v3, v14;
	v11 =	vld.idx.msk [tilespmem:v11+s6+$0x0], $0xffff  }
0x41: {  	v16 =	vand.u32 $0x7F80, v16;
	v15 =	vor.u32 v5, v15;
	v12 =	vld.idx.msk [tilespmem:v12+s6+$0x0], $0xffff  }
0x42: {  	v16 =	vor.u32 v0, v16;
	v13 =	vld.idx.msk [tilespmem:v13+s6+$0x0], $0xffff;
	_ =	sdelay $0x2  }
0x43: {  	v17 =	vlaneseq.u32;
	v14 =	vld.idx.msk [tilespmem:v14+s6+$0x0], $0xffff;
	v11 =	vsel vm0, $0x0, v11  }
0x44: {  	vm2 =	veq.s32 v17, $0x0;
	v15 =	vld.idx.msk [tilespmem:v15+s6+$0x0], $0xffff;
	v12 =	vsel vm1, $0x0, v12;
	v18 =	vmul.u32 $0x83, v11  }
0x45: {  	v19 =	vsel vm2, $0x0, v13;
	v13 =	vld.idx.msk [tilespmem:v16+s6+$0x0], $0xffff;
	v12 =	vmul.u32 $0x4309, v12  }
0x46: {  	v16 =	vadd.s32 v19, v18  }
0x47: {  	v12 =	vadd.s32 v12, v16  }
0x48: {  	v14 =	vsel vm0, $0x0, v14;
	v16 =	vcvt.s32.f32 v12  }
0x49: {  	v20 =	vmul.u32 $0x83, v14;
	v18 =	vsel vm1, $0x0, v15  }
0x4a: {  	v15 =	vsel vm2, $0x0, v13;
	v13 =	vmul.u32 $0x4309, v18;
	v16 =	vmul.f32 $4.999992600e-07, v16  }
0x4b: {  	v18 =	vadd.s32 v15, v20  }
0x4c: {  	v18 =	vadd.s32 v13, v18;
	v16 =	vtrunc.f32 v16  }
0x4d: {  	v20 =	vcvt.s32.f32 v18;
	v16 =	vcvt.f32.s32 v16  }
0x4e: {  	v21 =	vadd.s32 v6, v17  }
0x4f: {  	v13 =	vmov s13;
	v20 =	vmul.f32 $4.999992600e-07, v20;
	v16 =	vmul.u32 $0xFFE17B7D, v16  }
0x50: {  	v22 =	vadd.s32 v13, v21  }
0x51: {  	v12 =	vadd.s32 v12, v16;
	v16 =	vtrunc.f32 v20  }
0x52: {  	v23 =	vadd.s32 $0xFFFFFF39, v17;
	v11 =	vmul.u32 $0x4309, v11;
	v16 =	vcvt.f32.s32 v16  }
0x53: {  	v58 =	vmul.u32 $0x4309, v14;
	vm2 =	vlt.s32 v12, $0x0;
	v20 =	vadd.s32 $0x1E8483, v12  }
0x54: {  	v12 =	vsel vm2, v20, v12;
	v20 =	vadd.s32 $0x1, v17;
	v16 =	vmul.u32 $0xFFE17B7D, v16  }
0x55: {  	v34 =	vmul.u32 $0x83, v15;
	v22 =	vld.idx.msk [tilespmem:v22+s6+$0x0], $0xffff;
	vm3 =	vgt.s32 v20, $0xC7;
	vm2 =	vgt.s32 v12, $0x1E8482  }
0x56: {  	v20 =	vsel vm3, v23, v20;
	v23 =	vadd.s32 $0xFFE17B7D, v12;
	v18 =	vadd.s32 v18, v16  }
0x57: {  	v16 =	vadd.s32 v6, v20;
	v12 =	vsel vm2, v23, v12;
	v23 =	vmul.u32 $0x83, v19  }
0x58: {  	vm4 =	vlt.s32 v18, $0x0;
	v24 =	vadd.s32 $0x1E8483, v18;
	v25 =	vadd.s32 v13, v16  }
0x59: {  	v15 =	vmul.u32 $0x4309, v15;
	v12 =	vmul.u32 $0x83, v12;
	v18 =	vsel vm4, v24, v18  }
0x5a: {  	v23 =	vadd.s32 v23, v22;
	vm2 =	vgt.s32 v18, $0x1E8482;
	v24 =	vadd.s32 $0xFFE17B7D, v18  }
0x5b: {  	v12 =	vadd.s32 v12, v22;
	v18 =	vsel vm2, v24, v18;
	v24 =	vcvt.s32.f32 v23  }
0x5c: {  	v19 =	vmul.u32 $0x4309, v19;
	v26 =	vadd.s32 v11, v23;
	v11 =	vcvt.s32.f32 v12  }
0x5d: {  	v27 =	vadd.s32 $0x1, v20;
	v28 =	vcvt.s32.f32 v26;
	v25 =	vld.idx.msk [tilespmem:v25+s6+$0x0], $0xffff;
	v24 =	vmul.f32 $4.999992600e-07, v24  }
0x5e: {  	v29 =	vadd.s32 $0xFFFFFF39, v20;
	v19 =	vsel vm3, $0x0, v19;
	v11 =	vmul.f32 $4.999992600e-07, v11  }
0x5f: {  	v22 =	vsel vm3, $0x0, v22;
	v28 =	vmul.f32 $4.999992600e-07, v28;
	v24 =	vtrunc.f32 v24  }
0x60: {  	v30 =	vmul.u32 $0x83, v22;
	vm2 =	vgt.s32 v27, $0xC7;
	v24 =	vcvt.f32.s32 v24  }
0x61: {  	v22 =	vsel vm2, $0x0, v22;
	v31 =	vtrunc.f32 v11;
	v11 =	vtrunc.f32 v28  }
0x62: {  	v32 =	vcvt.f32.s32 v11;
	v28 =	vadd.s32 v30, v25;
	v24 =	vmul.u32 $0xFFE17B7D, v24  }
0x63: {  	v11 =	vadd.s32 v10, v17;
	v30 =	vcvt.s32.f32 v28;
	v19 =	vadd.s32 v19, v28  }
0x64: {  	v17 =	vcvt.s32.f32 v19;
	v23 =	vadd.s32 v23, v24;
	v24 =	vcvt.f32.s32 v31  }
0x65: {  	v30 =	vmul.f32 $4.999992600e-07, v30;
	vm4 =	vlt.s32 v23, $0x0;
	v31 =	vadd.s32 $0x1E8483, v23  }
0x66: {  	v23 =	vsel vm4, v31, v23;
	v31 =	vmul.u32 $0xFFE17B7D, v32;
	v24 =	vmul.u32 $0xFFE17B7D, v24  }
0x67: {  	v17 =	vmul.f32 $4.999992600e-07, v17;
	vm4 =	vgt.s32 v23, $0x1E8482;
	v57 =	vadd.s32 $0xFFE17B7D, v23  }
0x68: {  	v30 =	vtrunc.f32 v30;
	v23 =	vsel vm4, v57, v23;
	v26 =	vadd.s32 v26, v31  }
0x69: {  	v30 =	vcvt.f32.s32 v30;
	v12 =	vadd.s32 v12, v24;
	v17 =	vtrunc.f32 v17  }
0x6a: {  	vm4 =	vlt.s32 v26, $0x0;
	vm5 =	vlt.s32 v12, $0x0;
	v31 =	vadd.s32 $0x1E8483, v12  }
0x6b: {  	v14 =	vcvt.f32.s32 v17;
	v24 =	vmul.u32 $0xFFE17B7D, v30;
	v30 =	vadd.s32 $0x1E8483, v26  }
0x6c: {  	v33 =	vadd.s32 v13, v11;
	v26 =	vsel vm4, v30, v26;
	v30 =	vsel vm5, v31, v12  }
0x6d: {  	v12 =	vadd.s32 v10, v20;
	v14 =	vmul.u32 $0xFFE17B7D, v14;
	v24 =	vadd.s32 v28, v24  }
0x6e: {  	v28 =	vadd.s32 $0xFFE17B7D, v26;
	v31 =	vadd.s32 $0xFFE17B7D, v30;
	vm4 =	vgt.s32 v26, $0x1E8482  }
0x6f: {  	[tilespmem:v21+s17+$0x0] =	vst.idx.msk $0xffff, v23;
	vm5 =	vlt.s32 v24, $0x0;
	v17 =	vsel vm4, v28, v26;
	v20 =	vadd.s32 $0x1E8483, v24  }
0x70: {  	v20 =	vsel vm5, v20, v24;
	vm5 =	vgt.s32 v30, $0x1E8482;
	[tilespmem:v21+s18+$0x0] =	vst.idx.msk $0xffff, v17;
	v17 =	vmul.u32 $0x83, v17  }
0x71: {  	vm4 =	vgt.s32 v20, $0x1E8482;
	v23 =	vadd.s32 $0xFFE17B7D, v20;
	v26 =	vsel vm5, v31, v30  }
0x72: {  	v18 =	vmul.u32 $0x83, v18;
	v19 =	vadd.s32 v19, v14;
	v28 =	vsel vm4, v23, v20;
	[tilespmem:v21+s19+$0x0] =	vst.idx.msk $0xffff, v26  }
0x73: {  	vm4 =	vlt.s32 v19, $0x0;
	v20 =	vadd.s32 $0x1E8483, v19;
	v17 =	vsel vm3, $0x0, v17;
	v21 =	vld.idx.msk [tilespmem:v33+s6+$0x0], $0xffff  }
0x74: {  	v19 =	vsel vm4, v20, v19;
	v17 =	vadd.s32 v25, v17;
	v20 =	vsel vm2, $0x0, v25  }
0x75: {  	vm4 =	vgt.s32 v19, $0x1E8482;
	v23 =	vadd.s32 $0xFFE17B7D, v19;
	v25 =	vcvt.s32.f32 v17  }
0x76: {  	v14 =	vsel vm2, v29, v27;
	v24 =	vadd.s32 v13, v12;
	v19 =	vsel vm4, v23, v19  }
0x77: {  	vm4 =	vmmov vm3;
	v23 =	vsel vm2, $0x0, v19;
	v25 =	vmul.f32 $4.999992600e-07, v25  }
0x78: {  	vm2 =	vmmov vm2;
	v26 =	vadd.s32 v34, v21;
	v27 =	vsel vm4, $0x0, v21  }
0x79: {  	v25 =	vtrunc.f32 v25;
	v18 =	vadd.s32 v18, v21;
	v29 =	vcvt.s32.f32 v26  }
0x7a: {  	v30 =	vadd.s32 v58, v26;
	v31 =	vcvt.f32.s32 v25;
	v59 =	vcvt.s32.f32 v18  }
0x7b: {  	v21 =	vmul.u32 $0x4309, v20;
	v60 =	vcvt.s32.f32 v30;
	v29 =	vmul.f32 $4.999992600e-07, v29  }
0x7c: {  	v25 =	vsel vm4, $0x0, v15;
	v31 =	vmul.u32 $0xFFE17B7D, v31;
	v32 =	vmul.f32 $4.999992600e-07, v59  }
0x7d: {  	v15 =	vsel vm2, $0x0, v27;
	v33 =	vmul.f32 $4.999992600e-07, v60;
	v29 =	vtrunc.f32 v29  }
0x7e: {  	v17 =	vadd.s32 v17, v31;
	v31 =	vtrunc.f32 v32;
	v29 =	vcvt.f32.s32 v29  }
0x7f: {  	v61 =	vtrunc.f32 v33;
	vm3 =	vlt.s32 v17, $0x0;
	v62 =	vadd.s32 $0x1E8483, v17  }
0x80: {  	v32 =	vcvt.f32.s32 v61;
	v17 =	vsel vm3, v62, v17;
	v29 =	vmul.u32 $0xFFE17B7D, v29  }
0x81: {  	v63 =	vmul.u32 $0x83, v27;
	v31 =	vcvt.f32.s32 v31;
	vm3 =	vgt.s32 v17, $0x1E8482  }
0x82: {  	[tilespmem:v16+s17+$0x0] =	vst.idx.msk $0xffff, v28;
	v33 =	vadd.s32 $0xFFE17B7D, v17;
	v28 =	vmul.u32 $0xFFE17B7D, v32;
	v26 =	vadd.s32 v26, v29  }
0x83: {  	[tilespmem:v16+s18+$0x0] =	vst.idx.msk $0xffff, v19;
	v17 =	vsel vm3, v33, v17;
	vm3 =	vlt.s32 v26, $0x0;
	v19 =	vadd.s32 $0x1E8483, v26  }
0x84: {  	[tilespmem:v16+s19+$0x0] =	vst.idx.msk $0xffff, v17;
	v17 =	vadd.s32 v30, v28;
	v16 =	vsel vm3, v19, v26;
	v19 =	vmul.u32 $0xFFE17B7D, v31  }
0x85: {  	v26 =	vld.idx.msk [tilespmem:v24+s6+$0x0], $0xffff;
	vm5 =	vlt.s32 v17, $0x0;
	vm3 =	vgt.s32 v16, $0x1E8482;
	v24 =	vadd.s32 $0xFFE17B7D, v16  }
0x86: {  	v16 =	vsel vm3, v24, v16;
	v24 =	vadd.s32 $0x1E8483, v17;
	v27 =	vadd.s32 v18, v19  }
0x87: {  	v19 =	vadd.s32 $0xFFFFFF39, v14;
	v18 =	vadd.s32 v6, v14;
	v17 =	vsel vm5, v24, v17  }
0x88: {  	vm5 =	vlt.s32 v27, $0x0;
	v28 =	vadd.s32 $0x1E8483, v27;
	v24 =	vadd.s32 $0x1, v14  }
0x89: {  	v29 =	vadd.s32 v13, v18;
	vm6 =	vgt.s32 v17, $0x1E8482;
	v30 =	vadd.s32 $0xFFE17B7D, v17  }
0x8a: {  	[tilespmem:v11+s17+$0x0] =	vst.idx.msk $0xffff, v16;
	vm3 =	vgt.s32 v24, $0xC7;
	v17 =	vsel vm6, v30, v17;
	v16 =	vadd.s32 v63, v26  }
0x8b: {  	p1 =	por p2, p2;
	s14 =	simm.s32 $0x2;
	v24 =	vsel vm3, v19, v24;
	[tilespmem:v11+s18+$0x0] =	vst.idx.msk $0xffff, v17;
	v30 =	vmul.u32 $0x83, v17;
	v17 =	vsel vm2, $0x0, v26  }
.LBB2_3:
0x8c: {  	s14 =	sadd.s32 $0x2, s14;
	v19 =	vadd.s32 v6, v24;
	v31 =	vcvt.s32.f32 v16;
	v32 =	vadd.s32 v25, v16  }
0x8d: {  	p2 =	slt.u32 s14, $0xC6;
	v33 =	vadd.s32 v13, v19;
	v34 =	vcvt.s32.f32 v32;
	v30 =	vsel vm4, $0x0, v30  }
0x8e: {  	v25 =	vsel vm5, v28, v27;
	v29 =	vld.idx.msk [tilespmem:v29+s6+$0x0], $0xffff;
	v28 =	vmul.f32 $4.999992600e-07, v31;
	v30 =	vadd.s32 v26, v30  }
0x8f: {  	vm4 =	vgt.s32 v25, $0x1E8482;
	v26 =	vmul.f32 $4.999992600e-07, v34;
	v31 =	vcvt.s32.f32 v30  }
0x90: {  	v20 =	vmul.u32 $0x83, v20;
	v27 =	vadd.s32 $0xFFE17B7D, v25;
	v28 =	vtrunc.f32 v28  }
0x91: {  	v22 =	vmul.u32 $0x4309, v22;
	v34 =	vtrunc.f32 v26;
	v31 =	vmul.f32 $4.999992600e-07, v31  }
0x92: {  	v35 =	vmul.u32 $0x83, v23;
	v23 =	vcvt.f32.s32 v28;
	v26 =	vld.idx.msk [tilespmem:v33+s6+$0x0], $0xffff;
	v28 =	vcvt.f32.s32 v34  }
0x93: {  	v33 =	vadd.s32 $0x1, v24;
	v34 =	vadd.s32 $0xFFFFFF39, v24;
	v31 =	vtrunc.f32 v31  }
0x94: {  	v20 =	vadd.s32 v20, v29;
	v35 =	vadd.s32 v35, v29;
	v28 =	vmul.u32 $0xFFE17B7D, v28  }
0x95: {  	v36 =	vcvt.s32.f32 v20;
	v22 =	vadd.s32 v22, v20;
	v37 =	vcvt.s32.f32 v35  }
0x96: {  	v29 =	vsel vm3, $0x0, v29;
	v38 =	vcvt.s32.f32 v22;
	v28 =	vadd.s32 v32, v28  }
0x97: {  	vm5 =	vgt.s32 v33, $0xC7;
	v32 =	vmul.f32 $4.999992600e-07, v36;
	v36 =	vmul.f32 $4.999992600e-07, v37  }
0x98: {  	v21 =	vsel vm3, $0x0, v21;
	v37 =	vmul.f32 $4.999992600e-07, v38;
	vm6 =	vlt.s32 v28, $0x0  }
0x99: {  	v38 =	vmul.u32 $0x83, v29;
	v32 =	vtrunc.f32 v32;
	v36 =	vtrunc.f32 v36  }
0x9a: {  	v31 =	vcvt.f32.s32 v31;
	v39 =	vadd.s32 $0x1E8483, v28;
	v32 =	vcvt.f32.s32 v32  }
0x9b: {  	v28 =	vsel vm6, v39, v28;
	v37 =	vtrunc.f32 v37;
	v38 =	vadd.s32 v38, v26  }
0x9c: {  	v39 =	vcvt.s32.f32 v38;
	v21 =	vadd.s32 v21, v38;
	v32 =	vmul.u32 $0xFFE17B7D, v32  }
0x9d: {  	v40 =	vadd.s32 v10, v14;
	v37 =	vcvt.f32.s32 v37;
	v14 =	vcvt.s32.f32 v21  }
0x9e: {  	v20 =	vadd.s32 v20, v32;
	v32 =	vcvt.f32.s32 v36;
	v36 =	vmul.f32 $4.999992600e-07, v39  }
0x9f: {  	v41 =	vadd.s32 v13, v40;
	vm6 =	vlt.s32 v20, $0x0;
	v39 =	vadd.s32 $0x1E8483, v20  }
0xa0: {  	v37 =	vmul.u32 $0xFFE17B7D, v37;
	v20 =	vsel vm6, v39, v20;
	v32 =	vmul.u32 $0xFFE17B7D, v32  }
0xa1: {  	vm6 =	vgt.s32 v28, $0x1E8482;
	vm7 =	vgt.s32 v20, $0x1E8482;
	v39 =	vadd.s32 $0xFFE17B7D, v20  }
0xa2: {  	v36 =	vtrunc.f32 v36;
	v20 =	vsel vm7, v39, v20;
	v39 =	vadd.s32 $0xFFE17B7D, v28  }
0xa3: {  	v14 =	vmul.f32 $4.999992600e-07, v14;
	v22 =	vadd.s32 v22, v37;
	[tilespmem:v18+s17+$0x0] =	vst.idx.msk $0xffff, v20;
	v20 =	vcvt.f32.s32 v36  }
0xa4: {  	v31 =	vmul.u32 $0xFFE17B7D, v31;
	vm7 =	vlt.s32 v22, $0x0;
	v32 =	vadd.s32 v35, v32  }
0xa5: {  	v14 =	vtrunc.f32 v14;
	vm8 =	vlt.s32 v32, $0x0;
	v20 =	vmul.u32 $0xFFE17B7D, v20  }
0xa6: {  	v30 =	vadd.s32 v30, v31;
	v35 =	vadd.s32 $0x1E8483, v22;
	v36 =	vadd.s32 $0x1E8483, v32  }
0xa7: {  	v22 =	vsel vm7, v35, v22;
	v31 =	vsel vm8, v36, v32;
	v20 =	vadd.s32 v38, v20  }
0xa8: {  	v15 =	vmul.u32 $0x4309, v15;
	v32 =	vadd.s32 $0xFFE17B7D, v22;
	v35 =	vadd.s32 $0xFFE17B7D, v31  }
0xa9: {  	v24 =	vadd.s32 v10, v24;
	vm7 =	vlt.s32 v30, $0x0;
	v36 =	vmul.u32 $0x83, v17  }
0xaa: {  	vm8 =	vgt.s32 v22, $0x1E8482;
	vm9 =	vlt.s32 v20, $0x0;
	v37 =	vadd.s32 $0x1E8483, v20  }
0xab: {  	v22 =	vsel vm8, v32, v22;
	v32 =	vadd.s32 v13, v24;
	v20 =	vsel vm9, v37, v20  }
0xac: {  	v38 =	vadd.s32 $0x1E8483, v30;
	vm8 =	vgt.s32 v20, $0x1E8482;
	v37 =	vadd.s32 $0xFFE17B7D, v20  }
0xad: {  	v14 =	vcvt.f32.s32 v14;
	v30 =	vsel vm7, v38, v30;
	v20 =	vsel vm8, v37, v20  }
0xae: {  	vm7 =	vgt.s32 v30, $0x1E8482;
	v37 =	vmul.u32 $0x83, v22;
	[tilespmem:v19+s17+$0x0] =	vst.idx.msk $0xffff, v20;
	v20 =	vadd.s32 $0xFFE17B7D, v30  }
0xaf: {  	vm8 =	vgt.s32 v31, $0x1E8482;
	[tilespmem:v18+s18+$0x0] =	vst.idx.msk $0xffff, v22;
	v22 =	vmul.u32 $0xFFE17B7D, v14;
	v30 =	vsel vm7, v20, v30  }
0xb0: {  	v31 =	vsel vm8, v35, v31;
	v14 =	vsel vm5, v34, v33;
	v20 =	vsel vm5, $0x0, v26  }
0xb1: {  	v25 =	vsel vm4, v27, v25;
	[tilespmem:v18+s19+$0x0] =	vst.idx.msk $0xffff, v31;
	v18 =	vadd.s32 v21, v22;
	v21 =	vsel vm3, $0x0, v37  }
0xb2: {  	v22 =	vsel vm5, $0x0, v29;
	v27 =	vld.idx.msk [tilespmem:v41+s6+$0x0], $0xffff;
	vm4 =	vlt.s32 v18, $0x0;
	v31 =	vadd.s32 $0x1E8483, v18;
	[tilespmem:v11+s19+$0x0] =	vst.idx.msk $0xffff, v25;
	v11 =	vmovc v40  }
0xb3: {  	v28 =	vsel vm6, v39, v28;
	v26 =	vadd.s32 v26, v21;
	v18 =	vsel vm4, v31, v18  }
0xb4: {  	v25 =	vsel vm2, $0x0, v28;
	vm4 =	vgt.s32 v18, $0x1E8482;
	v21 =	vadd.s32 $0xFFE17B7D, v18  }
0xb5: {  	v29 =	vmul.u32 $0xFFE17B7D, v23;
	v18 =	vsel vm4, v21, v18;
	v21 =	vcvt.s32.f32 v26  }
0xb6: {  	vm2 =	vmmov vm5;
	vm4 =	vmmov vm3;
	[tilespmem:v19+s18+$0x0] =	vst.idx.msk $0xffff, v18;
	v23 =	vsel vm5, $0x0, v18  }
0xb7: {  	v17 =	vmul.u32 $0x4309, v17;
	v16 =	vadd.s32 v16, v29;
	v18 =	vmul.f32 $4.999992600e-07, v21  }
0xb8: {  	vm3 =	vlt.s32 v16, $0x0;
	v29 =	vadd.s32 v36, v27;
	v31 =	vsel vm4, $0x0, v27  }
0xb9: {  	v33 =	vcvt.s32.f32 v29;
	v34 =	vadd.s32 v15, v29;
	v15 =	vmul.u32 $0x83, v25  }
0xba: {  	v21 =	vmul.u32 $0x4309, v20;
	v25 =	vsel vm4, $0x0, v17;
	v18 =	vtrunc.f32 v18  }
0xbb: {  	v17 =	vmul.f32 $4.999992600e-07, v33;
	v27 =	vadd.s32 v15, v27;
	v18 =	vcvt.f32.s32 v18  }
0xbc: {  	v35 =	vadd.s32 $0x1E8483, v16;
	v15 =	vsel vm2, $0x0, v31;
	v33 =	vcvt.s32.f32 v27  }
0xbd: {  	v16 =	vsel vm3, v35, v16;
	v36 =	vcvt.s32.f32 v34;
	v18 =	vmul.u32 $0xFFE17B7D, v18  }
0xbe: {  	vm3 =	vgt.s32 v16, $0x1E8482;
	v17 =	vtrunc.f32 v17;
	v33 =	vmul.f32 $4.999992600e-07, v33  }
0xbf: {  	v35 =	vmul.f32 $4.999992600e-07, v36;
	v18 =	vadd.s32 v26, v18;
	v26 =	vadd.s32 $0xFFE17B7D, v16  }
0xc0: {  	v17 =	vcvt.f32.s32 v17;
	v33 =	vtrunc.f32 v33;
	v16 =	vsel vm3, v26, v16  }
0xc1: {  	v26 =	vtrunc.f32 v35;
	vm3 =	vlt.s32 v18, $0x0;
	v35 =	vadd.s32 $0x1E8483, v18;
	[tilespmem:v12+s17+$0x0] =	vst.idx.msk $0xffff, v16  }
0xc2: {  	v18 =	vsel vm3, v35, v18;
	v16 =	vmul.u32 $0xFFE17B7D, v17;
	v17 =	vcvt.f32.s32 v26;
	[tilespmem:v12+s18+$0x0] =	vst.idx.msk $0xffff, v28  }
0xc3: {  	v26 =	vcvt.f32.s32 v33;
	vm3 =	vgt.s32 v18, $0x1E8482;
	v28 =	vadd.s32 $0xFFE17B7D, v18;
	[tilespmem:v12+s19+$0x0] =	vst.idx.msk $0xffff, v30;
	v12 =	vmovc v24  }
0xc4: {  	v16 =	vadd.s32 v29, v16;
	v17 =	vmul.u32 $0xFFE17B7D, v17;
	v18 =	vsel vm3, v28, v18  }
0xc5: {  	vm3 =	vlt.s32 v16, $0x0;
	v24 =	vadd.s32 $0x1E8483, v16;
	[tilespmem:v19+s19+$0x0] =	vst.idx.msk $0xffff, v18;
	v19 =	vmul.u32 $0x83, v31  }
0xc6: {  	v16 =	vsel vm3, v24, v16;
	v17 =	vadd.s32 v34, v17;
	v18 =	vmul.u32 $0xFFE17B7D, v26;
	v26 =	vld.idx.msk [tilespmem:v32+s6+$0x0], $0xffff  }
0xc7: {  	vm3 =	vgt.s32 v16, $0x1E8482;
	v24 =	vadd.s32 $0xFFE17B7D, v16;
	vm5 =	vlt.s32 v17, $0x0  }
0xc8: {  	v16 =	vsel vm3, v24, v16;
	v24 =	vadd.s32 $0x1E8483, v17;
	v27 =	vadd.s32 v27, v18  }
.Ltmp0:
0xc9: {  	v30 =	vadd.s32 $0xFFFFFF39, v14;
	v17 =	vsel vm5, v24, v17;
	vm5 =	vlt.s32 v27, $0x0;
	[tilespmem:v11+s17+$0x0] =	vst.idx.msk $0xffff, v16;
	(pc) =	sbr.rel @p2 .LBB2_3-.Ltmp0, $4  }
0xca: {  	v18 =	vadd.s32 v6, v14;
	v28 =	vadd.s32 $0x1E8483, v27;
	vm6 =	vgt.s32 v17, $0x1E8482  }
0xcb: {  	v24 =	vadd.s32 $0x1, v14;
	v29 =	vadd.s32 v13, v18;
	v16 =	vadd.s32 $0xFFE17B7D, v17  }
0xcc: {  	vm3 =	vgt.s32 v24, $0xC7;
	v17 =	vsel vm6, v16, v17;
	v16 =	vadd.s32 v19, v26  }
0xcd: {  	v24 =	vsel vm3, v30, v24;
	v30 =	vmul.u32 $0x83, v17;
	[tilespmem:v11+s18+$0x0] =	vst.idx.msk $0xffff, v17;
	v17 =	vsel vm2, $0x0, v26  }
0xce: {  	v19 =	vadd.s32 v6, v24  }
0xcf: {  	v31 =	vcvt.s32.f32 v16;
	v25 =	vadd.s32 v25, v16;
	v27 =	vsel vm5, v28, v27  }
0xd0: {  	v20 =	vmul.u32 $0x83, v20;
	v22 =	vmul.u32 $0x4309, v22;
	v23 =	vmul.u32 $0x83, v23  }
0xd1: {  	v21 =	vsel vm3, $0x0, v21;
	v14 =	vadd.s32 v10, v14;
	v52 =	vmul.u32 $0x4309, v15  }
0xd2: {  	v29 =	vld.idx.msk [tilespmem:v29+s6+$0x0], $0xffff;
	v53 =	vmul.u32 $0x83, v17;
	v15 =	vadd.s32 v10, v24;
	v33 =	vcvt.s32.f32 v25  }
0xd3: {  	v17 =	vmul.u32 $0x4309, v17;
	v32 =	vadd.s32 v13, v19;
	v30 =	vsel vm4, $0x0, v30  }
0xd4: {  	v28 =	vmul.f32 $4.999992600e-07, v31;
	v26 =	vadd.s32 v26, v30;
	v30 =	vmul.f32 $4.999992600e-07, v33  }
0xd5: {  	vm4 =	vgt.s32 v27, $0x1E8482;
	v63 =	vadd.s32 $0xFFE17B7D, v27;
	v31 =	vcvt.s32.f32 v26  }
0xd6: {  	v38 =	vadd.s32 v13, v14;
	v28 =	vtrunc.f32 v28;
	v30 =	vtrunc.f32 v30  }
0xd7: {  	v31 =	vmul.f32 $4.999992600e-07, v31;
	v28 =	vcvt.f32.s32 v28;
	v20 =	vadd.s32 v20, v29  }
0xd8: {  	v30 =	vcvt.f32.s32 v30;
	v34 =	vcvt.s32.f32 v20;
	v22 =	vadd.s32 v22, v20  }
0xd9: {  	v23 =	vadd.s32 v23, v29;
	v29 =	vsel vm3, $0x0, v29;
	v32 =	vld.idx.msk [tilespmem:v32+s6+$0x0], $0xffff;
	v36 =	vcvt.s32.f32 v22  }
0xda: {  	v31 =	vtrunc.f32 v31;
	v30 =	vmul.u32 $0xFFE17B7D, v30;
	v34 =	vmul.f32 $4.999992600e-07, v34  }
0xdb: {  	v35 =	vcvt.s32.f32 v23;
	v29 =	vmul.u32 $0x83, v29;
	v31 =	vcvt.f32.s32 v31  }
0xdc: {  	v40 =	vmul.f32 $4.999992600e-07, v36;
	v25 =	vadd.s32 v25, v30;
	v34 =	vtrunc.f32 v34  }
0xdd: {  	v30 =	vmul.f32 $4.999992600e-07, v35;
	vm5 =	vlt.s32 v25, $0x0;
	v34 =	vcvt.f32.s32 v34  }
0xde: {  	v41 =	vadd.s32 $0x1E8483, v25;
	v35 =	vtrunc.f32 v40;
	v29 =	vadd.s32 v29, v32  }
0xdf: {  	v30 =	vtrunc.f32 v30;
	v25 =	vsel vm5, v41, v25;
	v42 =	vcvt.s32.f32 v29  }
0xe0: {  	v21 =	vadd.s32 v21, v29;
	v35 =	vcvt.f32.s32 v35;
	v34 =	vmul.u32 $0xFFE17B7D, v34  }
0xe1: {  	v37 =	vcvt.s32.f32 v21;
	v30 =	vcvt.f32.s32 v30;
	v46 =	vadd.s32 $0xFFE17B7D, v25  }
0xe2: {  	v36 =	vmul.f32 $4.999992600e-07, v42;
	v43 =	vmul.u32 $0xFFE17B7D, v35;
	v20 =	vadd.s32 v20, v34  }
0xe3: {  	v30 =	vmul.u32 $0xFFE17B7D, v30;
	v48 =	vmul.f32 $4.999992600e-07, v37;
	vm5 =	vlt.s32 v20, $0x0  }
0xe4: {  	v34 =	vadd.s32 $0x1E8483, v20;
	v45 =	vtrunc.f32 v36;
	v22 =	vadd.s32 v22, v43  }
0xe5: {  	v20 =	vsel vm5, v34, v20;
	vm5 =	vgt.s32 v25, $0x1E8482;
	v47 =	vcvt.f32.s32 v45  }
0xe6: {  	v23 =	vadd.s32 v23, v30;
	v30 =	vmul.u32 $0xFFE17B7D, v31;
	v49 =	vtrunc.f32 v48  }
0xe7: {  	v50 =	vadd.s32 $0x1E8483, v22;
	vm6 =	vgt.s32 v20, $0x1E8482;
	v44 =	vadd.s32 $0xFFE17B7D, v20  }
0xe8: {  	vm7 =	vlt.s32 v23, $0x0;
	v51 =	vadd.s32 $0x1E8483, v23;
	v34 =	vcvt.f32.s32 v49  }
0xe9: {  	v20 =	vsel vm6, v44, v20;
	vm6 =	vlt.s32 v22, $0x0;
	v31 =	vmul.u32 $0xFFE17B7D, v47  }
0xea: {  	v26 =	vadd.s32 v26, v30;
	v23 =	vsel vm7, v51, v23;
	v22 =	vsel vm6, v50, v22  }
0xeb: {  	vm6 =	vlt.s32 v26, $0x0;
	[tilespmem:v18+s17+$0x0] =	vst.idx.msk $0xffff, v20;
	v20 =	vadd.s32 $0x1E8483, v26;
	vm15 =	vgt.s32 v23, $0x1E8482  }
0xec: {  	v29 =	vadd.s32 v29, v31;
	v30 =	vadd.s32 $0xFFE17B7D, v22;
	vm7 =	vgt.s32 v22, $0x1E8482  }
0xed: {  	vm8 =	vlt.s32 v29, $0x0;
	v24 =	vadd.s32 $0x1E8483, v29;
	v22 =	vsel vm7, v30, v22  }
0xee: {  	v31 =	vadd.s32 $0xFFE17B7D, v23;
	v24 =	vsel vm8, v24, v29;
	v29 =	vmul.u32 $0x83, v22  }
0xef: {  	v25 =	vsel vm5, v46, v25;
	v20 =	vsel vm6, v20, v26;
	v23 =	vsel vm15, v31, v23  }
0xf0: {  	vm6 =	vgt.s32 v20, $0x1E8482;
	[tilespmem:v18+s18+$0x0] =	vst.idx.msk $0xffff, v22;
	v22 =	vmul.u32 $0xFFE17B7D, v34;
	v29 =	vsel vm3, $0x0, v29  }
0xf1: {  	vm7 =	vgt.s32 v24, $0x1E8482;
	v30 =	vadd.s32 $0xFFE17B7D, v24;
	[tilespmem:v18+s19+$0x0] =	vst.idx.msk $0xffff, v23;
	v29 =	vadd.s32 v32, v29  }
0xf2: {  	v23 =	vadd.s32 $0xFFE17B7D, v20;
	v21 =	vadd.s32 v21, v22;
	v22 =	vld.idx.msk [tilespmem:v38+s6+$0x0], $0xffff;
	v18 =	vcvt.s32.f32 v29  }
0xf3: {  	v24 =	vsel vm7, v30, v24;
	vm7 =	vlt.s32 v21, $0x0;
	v26 =	vadd.s32 $0x1E8483, v21  }
0xf4: {  	v20 =	vsel vm6, v23, v20;
	v21 =	vsel vm7, v26, v21;
	v18 =	vmul.f32 $4.999992600e-07, v18  }
0xf5: {  	v23 =	vsel vm4, v63, v27;
	vm4 =	vgt.s32 v21, $0x1E8482;
	v26 =	vadd.s32 $0xFFE17B7D, v21  }
0xf6: {  	v27 =	vsel vm2, $0x0, v25;
	v21 =	vsel vm4, v26, v21;
	v18 =	vtrunc.f32 v18  }
0xf7: {  	v26 =	vmul.u32 $0xFFE17B7D, v28;
	v28 =	vadd.s32 v53, v22;
	v18 =	vcvt.f32.s32 v18  }
0xf8: {  	vm2 =	vmmov vm3;
	v27 =	vmul.u32 $0x83, v27;
	v30 =	vadd.s32 v52, v28  }
0xf9: {  	v16 =	vadd.s32 v16, v26;
	v26 =	vcvt.s32.f32 v30;
	v18 =	vmul.u32 $0xFFE17B7D, v18  }
0xfa: {  	v13 =	vadd.s32 v13, v15;
	[tilespmem:v19+s17+$0x0] =	vst.idx.msk $0xffff, v24;
	v17 =	vsel vm2, $0x0, v17;
	v31 =	vsel vm2, $0x0, v22  }
0xfb: {  	[tilespmem:v19+s18+$0x0] =	vst.idx.msk $0xffff, v21;
	v21 =	vadd.s32 v27, v22;
	v26 =	vmul.f32 $4.999992600e-07, v26;
	v18 =	vadd.s32 v29, v18  }
0xfc: {  	v54 =	vcvt.s32.f32 v28;
	vm4 =	vlt.s32 v18, $0x0;
	v29 =	vadd.s32 $0x1E8483, v18  }
0xfd: {  	vm3 =	vlt.s32 v16, $0x0;
	v24 =	vtrunc.f32 v26;
	v18 =	vsel vm4, v29, v18  }
0xfe: {  	v22 =	vcvt.f32.s32 v24;
	vm4 =	vgt.s32 v18, $0x1E8482;
	v26 =	vadd.s32 $0xFFE17B7D, v18  }
0xff: {  	v27 =	vadd.s32 $0x1E8483, v16;
	v24 =	vmul.f32 $4.999992600e-07, v54;
	v18 =	vsel vm4, v26, v18  }
0x100: {  	v16 =	vsel vm3, v27, v16;
	v26 =	vcvt.s32.f32 v21;
	[tilespmem:v19+s19+$0x0] =	vst.idx.msk $0xffff, v18;
	v18 =	vmul.u32 $0xFFE17B7D, v22  }
0x101: {  	vm3 =	vgt.s32 v16, $0x1E8482;
	v19 =	vtrunc.f32 v24;
	v24 =	vadd.s32 $0xFFE17B7D, v16;
	v13 =	vld.idx.msk [tilespmem:v13+s6+$0x0], $0xffff  }
0x102: {  	v22 =	vmul.f32 $4.999992600e-07, v26;
	v19 =	vcvt.f32.s32 v19;
	v18 =	vadd.s32 v30, v18  }
0x103: {  	v26 =	vmul.u32 $0x83, v31;
	vm4 =	vlt.s32 v18, $0x0;
	v27 =	vadd.s32 $0x1E8483, v18  }
0x104: {  	v22 =	vtrunc.f32 v22;
	v19 =	vmul.u32 $0xFFE17B7D, v19;
	v18 =	vsel vm4, v27, v18  }
0x105: {  	v16 =	vsel vm3, v24, v16;
	v22 =	vcvt.f32.s32 v22;
	vm4 =	vgt.s32 v18, $0x1E8482  }
0x106: {  	v27 =	vadd.s32 $0xFFE17B7D, v18;
	v19 =	vadd.s32 v28, v19;
	v26 =	vadd.s32 v26, v13  }
0x107: {  	v18 =	vsel vm4, v27, v18;
	vm3 =	vlt.s32 v19, $0x0;
	v17 =	vadd.s32 v17, v26  }
0x108: {  	v28 =	vadd.s32 $0x1E8483, v19;
	v24 =	vmul.u32 $0x83, v18;
	v27 =	vcvt.s32.f32 v17  }
0x109: {  	v19 =	vsel vm3, v28, v19;
	v28 =	vcvt.s32.f32 v26  }
0x10a: {  	v22 =	vmul.u32 $0xFFE17B7D, v22;
	v24 =	vsel vm2, $0x0, v24;
	v27 =	vmul.f32 $4.999992600e-07, v27  }
0x10b: {  	v29 =	vadd.s32 $0xFFE17B7D, v19;
	v28 =	vmul.f32 $4.999992600e-07, v28;
	v13 =	vadd.s32 v13, v24  }
0x10c: {  	vm2 =	vgt.s32 v19, $0x1E8482;
	v24 =	vcvt.s32.f32 v13;
	v27 =	vtrunc.f32 v27  }
0x10d: {  	v21 =	vadd.s32 v21, v22;
	v19 =	vsel vm2, v29, v19;
	v27 =	vcvt.f32.s32 v27  }
0x10e: {  	vm2 =	vlt.s32 v21, $0x0;
	v22 =	vmul.f32 $4.999992600e-07, v24;
	v24 =	vtrunc.f32 v28  }
0x10f: {  	v28 =	vadd.s32 $0x1E8483, v21;
	v24 =	vcvt.f32.s32 v24;
	v27 =	vmul.u32 $0xFFE17B7D, v27  }
0x110: {  	v21 =	vsel vm2, v28, v21;
	v22 =	vtrunc.f32 v22  }
0x111: {  	[tilespmem:v11+s19+$0x0] =	vst.idx.msk $0xffff, v23;
	v22 =	vcvt.f32.s32 v22;
	v23 =	vmul.u32 $0xFFE17B7D, v24;
	v17 =	vadd.s32 v17, v27  }
0x112: {  	vm3 =	vgt.s32 v21, $0x1E8482;
	vm2 =	vlt.s32 v17, $0x0  }
0x113: {  	[tilespmem:v12+s17+$0x0] =	vst.idx.msk $0xffff, v16;
	v11 =	vadd.s32 $0x1E8483, v17;
	v16 =	vmul.u32 $0xFFE17B7D, v22;
	v22 =	vadd.s32 v26, v23  }
0x114: {  	[tilespmem:v12+s18+$0x0] =	vst.idx.msk $0xffff, v25;
	v11 =	vsel vm2, v11, v17;
	v17 =	vadd.s32 $0xFFE17B7D, v21;
	vm4 =	vlt.s32 v22, $0x0  }
0x115: {  	[tilespmem:v12+s19+$0x0] =	vst.idx.msk $0xffff, v20;
	vm2 =	vgt.s32 v11, $0x1E8482;
	v12 =	vadd.s32 v13, v16;
	v13 =	vadd.s32 $0x1E8483, v22  }
0x116: {  	[tilespmem:v14+s17+$0x0] =	vst.idx.msk $0xffff, v19;
	v17 =	vsel vm3, v17, v21;
	vm5 =	vlt.s32 v12, $0x0;
	v13 =	vsel vm4, v13, v22  }
0x117: {  	[tilespmem:v14+s18+$0x0] =	vst.idx.msk $0xffff, v18;
	v16 =	vadd.s32 $0x1E8483, v12;
	vm3 =	vgt.s32 v13, $0x1E8482;
	v18 =	vadd.s32 $0xFFE17B7D, v13  }
0x118: {  	v19 =	vadd.s32 $0xFFE17B7D, v11;
	[tilespmem:v14+s19+$0x0] =	vst.idx.msk $0xffff, v17;
	v12 =	vsel vm5, v16, v12;
	v13 =	vsel vm3, v18, v13  }
0x119: {  	v11 =	vsel vm2, v19, v11;
	vm3 =	vgt.s32 v12, $0x1E8482;
	v14 =	vadd.s32 $0xFFE17B7D, v12;
	[tilespmem:v15+s17+$0x0] =	vst.idx.msk $0xffff, v13  }
0x11a: {  	v12 =	vsel vm3, v14, v12;
	[tilespmem:v15+s18+$0x0] =	vst.idx.msk $0xffff, v11  }
0x11b: {  	s14 =	simm.s32 @p0 $0x3;
	[tilespmem:v15+s19+$0x0] =	vst.idx.msk $0xffff, v12  }
0x11c: {  	_ =	swait.ge @p0 [sflag:s14], $0x1900  }
0x11d: {  	[sflag:s14] =	ssyncset.done @p0 $0x0  }
0x11e: {  	[sflag:s14] =	ssyncadd.s32 @p0 $0xFFFFE700  }
0x11f: {  	_ =	swait.ge @p0 [sflag:s14], $0x1900  }
0x120: {  	[sflag:s14] =	ssyncset.done @p0 $0x0  }
0x121: {  	[sflag:s14] =	ssyncadd.s32 @p0 $0xFFFFE700  }
0x122: {  	s13 =	sadd.s32 $0x1900, s13;
	_ =	swait.ge @p0 [sflag:s14], $0x1900  }
0x123: {  	v11 =	vadd.s32 s13, v2;
	[sflag:s14] =	ssyncset.done @p0 $0x0  }
0x124: {  	v11 =	vand.u32 $0xFF80, v11;
	v12 =	vadd.s32 s13, v4;
	[sflag:s14] =	ssyncadd.s32 @p0 $0xFFFFE700  }
0x125: {  	v13 =	vadd.s32 s13, v1;
	v11 =	vor.u32 v3, v11;
	v12 =	vand.u32 $0xFF80, v12;
	[tilespmem:s21], [sflag:$0x1] =	stream.indirect.gather [hbm4b:s0+s20], $0x1, s17, s20, $0xb8;
	[tilespmem:$0x19000] =	vst v63  }
0x126: {  	v13 =	vand.u32 $0xFF80, v13;
	v12 =	vor.u32 v5, v12  }
0x127: {  	v13 =	vor.u32 v0, v13;
	[tilespmem:s22], [sflag:$0x1] =	stream.indirect.gather [hbm4b:s2+s20], $0x1, s18, s20, $0xb8;
	[tilespmem:$0x19000] =	vst v63  }
0x128: {  	v14 =	vadd.s32 s13, v8  }
0x129: {  	v14 =	vand.u32 $0xFF80, v14;
	v15 =	vadd.s32 s13, v9;
	[tilespmem:s23], [sflag:$0x1] =	stream.indirect.gather [hbm4b:s3+s20], $0x1, s19, s20, $0xb8;
	[tilespmem:$0x19000] =	vst v63  }
0x12a: {  	v16 =	vadd.s32 s13, v7;
	v14 =	vor.u32 v3, v14;
	v15 =	vand.u32 $0xFF80, v15;
	v11 =	vld.idx.msk [tilespmem:v11+s6+$0x0], $0xffff  }
0x12b: {  	v16 =	vand.u32 $0xFF80, v16;
	v15 =	vor.u32 v5, v15;
	v12 =	vld.idx.msk [tilespmem:v12+s6+$0x0], $0xffff  }
0x12c: {  	v16 =	vor.u32 v0, v16;
	v13 =	vld.idx.msk [tilespmem:v13+s6+$0x0], $0xffff;
	_ =	sdelay $0x2  }
0x12d: {  	v17 =	vlaneseq.u32;
	v14 =	vld.idx.msk [tilespmem:v14+s6+$0x0], $0xffff;
	v11 =	vsel vm0, $0x0, v11  }
0x12e: {  	vm2 =	veq.s32 v17, $0x0;
	v15 =	vld.idx.msk [tilespmem:v15+s6+$0x0], $0xffff;
	v12 =	vsel vm1, $0x0, v12;
	v18 =	vmul.u32 $0x83, v11  }
0x12f: {  	v19 =	vsel vm2, $0x0, v13;
	v13 =	vld.idx.msk [tilespmem:v16+s6+$0x0], $0xffff;
	v12 =	vmul.u32 $0x4309, v12  }
0x130: {  	v16 =	vadd.s32 v19, v18  }
0x131: {  	v12 =	vadd.s32 v12, v16  }
0x132: {  	v14 =	vsel vm0, $0x0, v14;
	v16 =	vcvt.s32.f32 v12  }
0x133: {  	v20 =	vmul.u32 $0x83, v14;
	v18 =	vsel vm1, $0x0, v15  }
0x134: {  	v15 =	vsel vm2, $0x0, v13;
	v13 =	vmul.u32 $0x4309, v18;
	v16 =	vmul.f32 $4.999992600e-07, v16  }
0x135: {  	v18 =	vadd.s32 v15, v20  }
0x136: {  	v18 =	vadd.s32 v13, v18;
	v16 =	vtrunc.f32 v16  }
0x137: {  	v20 =	vcvt.s32.f32 v18;
	v16 =	vcvt.f32.s32 v16  }
0x138: {  	v21 =	vadd.s32 v6, v17;
	v13 =	vmov s13  }
0x139: {  	v22 =	vadd.s32 v13, v21;
	v20 =	vmul.f32 $4.999992600e-07, v20;
	v16 =	vmul.u32 $0xFFE17B7D, v16;
	_ =	sdelay $0x1  }
0x13a: {  	v12 =	vadd.s32 v12, v16;
	v16 =	vtrunc.f32 v20  }
0x13b: {  	vm2 =	vlt.s32 v12, $0x0;
	v20 =	vadd.s32 $0x1E8483, v12;
	v16 =	vcvt.f32.s32 v16  }
0x13c: {  	v23 =	vadd.s32 $0xFFFFFF39, v17;
	v12 =	vsel vm2, v20, v12;
	v20 =	vadd.s32 $0x1, v17  }
0x13d: {  	v11 =	vmul.u32 $0x4309, v11;
	v22 =	vld.idx.msk [tilespmem:v22+s6+$0x0], $0xffff;
	v16 =	vmul.u32 $0xFFE17B7D, v16;
	vm3 =	vgt.s32 v20, $0xC7  }
0x13e: {  	vm2 =	vgt.s32 v12, $0x1E8482;
	v20 =	vsel vm3, v23, v20;
	v23 =	vadd.s32 $0xFFE17B7D, v12  }
0x13f: {  	v18 =	vadd.s32 v18, v16;
	v16 =	vadd.s32 v6, v20;
	v12 =	vsel vm2, v23, v12  }
0x140: {  	v23 =	vmul.u32 $0x83, v19;
	vm4 =	vlt.s32 v18, $0x0;
	v24 =	vadd.s32 $0x1E8483, v18  }
0x141: {  	v25 =	vadd.s32 v13, v16;
	v12 =	vmul.u32 $0x83, v12;
	v18 =	vsel vm4, v24, v18  }
0x142: {  	v58 =	vmul.u32 $0x4309, v14;
	v23 =	vadd.s32 v23, v22;
	vm2 =	vgt.s32 v18, $0x1E8482  }
0x143: {  	v24 =	vadd.s32 $0xFFE17B7D, v18;
	v12 =	vadd.s32 v12, v22;
	v26 =	vadd.s32 v11, v23  }
0x144: {  	v18 =	vsel vm2, v24, v18;
	v24 =	vcvt.s32.f32 v23;
	v11 =	vcvt.s32.f32 v12  }
0x145: {  	v59 =	vmul.u32 $0x83, v15;
	v15 =	vmul.u32 $0x4309, v15;
	v28 =	vcvt.s32.f32 v26  }
0x146: {  	v19 =	vmul.u32 $0x4309, v19;
	v25 =	vld.idx.msk [tilespmem:v25+s6+$0x0], $0xffff;
	v24 =	vmul.f32 $4.999992600e-07, v24;
	v11 =	vmul.f32 $4.999992600e-07, v11  }
0x147: {  	v27 =	vadd.s32 $0x1, v20;
	v29 =	vadd.s32 $0xFFFFFF39, v20;
	v28 =	vmul.f32 $4.999992600e-07, v28  }
0x148: {  	v22 =	vsel vm3, $0x0, v22;
	v24 =	vtrunc.f32 v24;
	v31 =	vtrunc.f32 v11  }
0x149: {  	v30 =	vmul.u32 $0x83, v22;
	v11 =	vtrunc.f32 v28;
	v24 =	vcvt.f32.s32 v24  }
0x14a: {  	v19 =	vsel vm3, $0x0, v19;
	vm2 =	vgt.s32 v27, $0xC7;
	v55 =	vcvt.f32.s32 v11  }
0x14b: {  	v11 =	vadd.s32 v10, v17;
	v28 =	vadd.s32 v30, v25;
	v24 =	vmul.u32 $0xFFE17B7D, v24  }
0x14c: {  	v56 =	vadd.s32 v13, v11;
	v30 =	vcvt.s32.f32 v28;
	v19 =	vadd.s32 v19, v28  }
0x14d: {  	v17 =	vcvt.s32.f32 v19;
	v23 =	vadd.s32 v23, v24;
	v24 =	vcvt.f32.s32 v31  }
0x14e: {  	v30 =	vmul.f32 $4.999992600e-07, v30;
	vm4 =	vlt.s32 v23, $0x0;
	v31 =	vadd.s32 $0x1E8483, v23  }
0x14f: {  	v23 =	vsel vm4, v31, v23;
	v31 =	vmul.u32 $0xFFE17B7D, v55;
	v24 =	vmul.u32 $0xFFE17B7D, v24  }
0x150: {  	v17 =	vmul.f32 $4.999992600e-07, v17;
	vm4 =	vgt.s32 v23, $0x1E8482;
	v57 =	vadd.s32 $0xFFE17B7D, v23  }
0x151: {  	v30 =	vtrunc.f32 v30;
	v23 =	vsel vm4, v57, v23;
	v26 =	vadd.s32 v26, v31  }
0x152: {  	v30 =	vcvt.f32.s32 v30;
	v12 =	vadd.s32 v12, v24;
	v17 =	vtrunc.f32 v17  }
0x153: {  	vm4 =	vlt.s32 v26, $0x0;
	vm5 =	vlt.s32 v12, $0x0;
	v31 =	vadd.s32 $0x1E8483, v12  }
0x154: {  	v14 =	vcvt.f32.s32 v17;
	v24 =	vmul.u32 $0xFFE17B7D, v30;
	v30 =	vadd.s32 $0x1E8483, v26  }
0x155: {  	v26 =	vsel vm4, v30, v26;
	v30 =	vsel vm5, v31, v12;
	v12 =	vadd.s32 v10, v20  }
0x156: {  	v14 =	vmul.u32 $0xFFE17B7D, v14;
	v24 =	vadd.s32 v28, v24;
	v28 =	vadd.s32 $0xFFE17B7D, v26  }
0x157: {  	v31 =	vadd.s32 $0xFFE17B7D, v30;
	vm4 =	vgt.s32 v26, $0x1E8482;
	vm5 =	vlt.s32 v24, $0x0  }
0x158: {  	v17 =	vadd.s32 $0x1E8483, v24;
	v20 =	vsel vm4, v28, v26;
	v19 =	vadd.s32 v19, v14  }
0x159: {  	[tilespmem:v21+s24+$0x0] =	vst.idx.msk $0xffff, v23;
	v17 =	vsel vm5, v17, v24;
	vm5 =	vgt.s32 v30, $0x1E8482;
	v26 =	vmul.u32 $0x83, v20  }
0x15a: {  	[tilespmem:v21+s25+$0x0] =	vst.idx.msk $0xffff, v20;
	vm4 =	vgt.s32 v17, $0x1E8482;
	v23 =	vadd.s32 $0xFFE17B7D, v17;
	v20 =	vsel vm5, v31, v30  }
0x15b: {  	v17 =	vsel vm4, v23, v17;
	[tilespmem:v21+s26+$0x0] =	vst.idx.msk $0xffff, v20;
	vm4 =	vlt.s32 v19, $0x0;
	v20 =	vadd.s32 $0x1E8483, v19  }
0x15c: {  	v14 =	vsel vm2, v29, v27;
	v21 =	vsel vm3, $0x0, v26;
	v26 =	vld.idx.msk [tilespmem:v56+s6+$0x0], $0xffff;
	v19 =	vsel vm4, v20, v19  }
0x15d: {  	v27 =	vadd.s32 v25, v21;
	vm4 =	vgt.s32 v19, $0x1E8482;
	v21 =	vadd.s32 $0xFFE17B7D, v19  }
0x15e: {  	v22 =	vsel vm2, $0x0, v22;
	v19 =	vsel vm4, v21, v19;
	v21 =	vcvt.s32.f32 v27  }
0x15f: {  	v18 =	vmul.u32 $0x83, v18;
	v24 =	vadd.s32 v13, v12;
	v20 =	vsel vm2, $0x0, v25  }
0x160: {  	vm4 =	vmmov vm3;
	v23 =	vsel vm2, $0x0, v19;
	v21 =	vmul.f32 $4.999992600e-07, v21  }
0x161: {  	vm2 =	vmmov vm2;
	v28 =	vadd.s32 v59, v26;
	v29 =	vsel vm4, $0x0, v26  }
0x162: {  	v18 =	vadd.s32 v18, v26;
	v25 =	vcvt.s32.f32 v28;
	v21 =	vtrunc.f32 v21  }
0x163: {  	v26 =	vadd.s32 v58, v28;
	v31 =	vcvt.s32.f32 v18;
	v30 =	vcvt.f32.s32 v21  }
0x164: {  	v21 =	vmul.u32 $0x4309, v20;
	v61 =	vcvt.s32.f32 v26;
	v60 =	vmul.f32 $4.999992600e-07, v25  }
0x165: {  	v25 =	vsel vm4, $0x0, v15;
	v31 =	vmul.f32 $4.999992600e-07, v31;
	v30 =	vmul.u32 $0xFFE17B7D, v30  }
0x166: {  	v15 =	vsel vm2, $0x0, v29;
	v33 =	vmul.f32 $4.999992600e-07, v61;
	v32 =	vtrunc.f32 v60  }
0x167: {  	v31 =	vtrunc.f32 v31;
	v27 =	vadd.s32 v27, v30;
	v30 =	vcvt.f32.s32 v32  }
0x168: {  	v62 =	vtrunc.f32 v33;
	vm3 =	vlt.s32 v27, $0x0;
	v63 =	vadd.s32 $0x1E8483, v27  }
0x169: {  	v32 =	vcvt.f32.s32 v62;
	v30 =	vmul.u32 $0xFFE17B7D, v30;
	v27 =	vsel vm3, v63, v27  }
0x16a: {  	v31 =	vcvt.f32.s32 v31;
	vm3 =	vgt.s32 v27, $0x1E8482;
	v33 =	vadd.s32 $0xFFE17B7D, v27  }
0x16b: {  	[tilespmem:v16+s24+$0x0] =	vst.idx.msk $0xffff, v17;
	v17 =	vadd.s32 v28, v30;
	v28 =	vmul.u32 $0xFFE17B7D, v32;
	v27 =	vsel vm3, v33, v27  }
0x16c: {  	[tilespmem:v16+s25+$0x0] =	vst.idx.msk $0xffff, v19;
	v30 =	vmul.u32 $0x83, v29;
	vm3 =	vlt.s32 v17, $0x0;
	v19 =	vadd.s32 $0x1E8483, v17  }
0x16d: {  	[tilespmem:v16+s26+$0x0] =	vst.idx.msk $0xffff, v27;
	v16 =	vsel vm3, v19, v17;
	v17 =	vadd.s32 v26, v28;
	v19 =	vmul.u32 $0xFFE17B7D, v31  }
0x16e: {  	v26 =	vld.idx.msk [tilespmem:v24+s6+$0x0], $0xffff;
	vm3 =	vgt.s32 v16, $0x1E8482;
	v24 =	vadd.s32 $0xFFE17B7D, v16;
	vm5 =	vlt.s32 v17, $0x0  }
0x16f: {  	v16 =	vsel vm3, v24, v16;
	v24 =	vadd.s32 $0x1E8483, v17;
	v27 =	vadd.s32 v18, v19  }
0x170: {  	v19 =	vadd.s32 $0xFFFFFF39, v14;
	v18 =	vadd.s32 v6, v14;
	v17 =	vsel vm5, v24, v17  }
0x171: {  	vm5 =	vlt.s32 v27, $0x0;
	v28 =	vadd.s32 $0x1E8483, v27;
	v24 =	vadd.s32 $0x1, v14  }
0x172: {  	v29 =	vadd.s32 v13, v18;
	vm6 =	vgt.s32 v17, $0x1E8482;
	v31 =	vadd.s32 $0xFFE17B7D, v17  }
0x173: {  	[tilespmem:v11+s24+$0x0] =	vst.idx.msk $0xffff, v16;
	vm3 =	vgt.s32 v24, $0xC7;
	v17 =	vsel vm6, v31, v17;
	v16 =	vadd.s32 v30, v26  }
0x174: {  	s13 =	simm.s32 $0x2;
	v24 =	vsel vm3, v19, v24;
	[tilespmem:v11+s25+$0x0] =	vst.idx.msk $0xffff, v17;
	v30 =	vmul.u32 $0x83, v17;
	v17 =	vsel vm2, $0x0, v26  }
.LBB2_5:
0x175: {  	s13 =	sadd.s32 $0x2, s13;
	v19 =	vadd.s32 v6, v24;
	v31 =	vcvt.s32.f32 v16;
	v32 =	vadd.s32 v25, v16  }
0x176: {  	p2 =	slt.u32 s13, $0xC6;
	v33 =	vadd.s32 v13, v19;
	v34 =	vcvt.s32.f32 v32;
	v30 =	vsel vm4, $0x0, v30  }
0x177: {  	v25 =	vsel vm5, v28, v27;
	v29 =	vld.idx.msk [tilespmem:v29+s6+$0x0], $0xffff;
	v28 =	vmul.f32 $4.999992600e-07, v31;
	v30 =	vadd.s32 v26, v30  }
0x178: {  	vm4 =	vgt.s32 v25, $0x1E8482;
	v26 =	vmul.f32 $4.999992600e-07, v34;
	v31 =	vcvt.s32.f32 v30  }
0x179: {  	v20 =	vmul.u32 $0x83, v20;
	v27 =	vadd.s32 $0xFFE17B7D, v25;
	v28 =	vtrunc.f32 v28  }
0x17a: {  	v22 =	vmul.u32 $0x4309, v22;
	v34 =	vtrunc.f32 v26;
	v31 =	vmul.f32 $4.999992600e-07, v31  }
0x17b: {  	v35 =	vmul.u32 $0x83, v23;
	v23 =	vcvt.f32.s32 v28;
	v26 =	vld.idx.msk [tilespmem:v33+s6+$0x0], $0xffff;
	v28 =	vcvt.f32.s32 v34  }
0x17c: {  	v33 =	vadd.s32 $0x1, v24;
	v34 =	vadd.s32 $0xFFFFFF39, v24;
	v31 =	vtrunc.f32 v31  }
0x17d: {  	v20 =	vadd.s32 v20, v29;
	v35 =	vadd.s32 v35, v29;
	v28 =	vmul.u32 $0xFFE17B7D, v28  }
0x17e: {  	v36 =	vcvt.s32.f32 v20;
	v22 =	vadd.s32 v22, v20;
	v37 =	vcvt.s32.f32 v35  }
0x17f: {  	v29 =	vsel vm3, $0x0, v29;
	v38 =	vcvt.s32.f32 v22;
	v28 =	vadd.s32 v32, v28  }
0x180: {  	vm5 =	vgt.s32 v33, $0xC7;
	v32 =	vmul.f32 $4.999992600e-07, v36;
	v36 =	vmul.f32 $4.999992600e-07, v37  }
0x181: {  	v21 =	vsel vm3, $0x0, v21;
	v37 =	vmul.f32 $4.999992600e-07, v38;
	vm6 =	vlt.s32 v28, $0x0  }
0x182: {  	v38 =	vmul.u32 $0x83, v29;
	v32 =	vtrunc.f32 v32;
	v36 =	vtrunc.f32 v36  }
0x183: {  	v31 =	vcvt.f32.s32 v31;
	v39 =	vadd.s32 $0x1E8483, v28;
	v32 =	vcvt.f32.s32 v32  }
0x184: {  	v28 =	vsel vm6, v39, v28;
	v37 =	vtrunc.f32 v37;
	v38 =	vadd.s32 v38, v26  }
0x185: {  	v39 =	vcvt.s32.f32 v38;
	v21 =	vadd.s32 v21, v38;
	v32 =	vmul.u32 $0xFFE17B7D, v32  }
0x186: {  	v40 =	vadd.s32 v10, v14;
	v37 =	vcvt.f32.s32 v37;
	v14 =	vcvt.s32.f32 v21  }
0x187: {  	v20 =	vadd.s32 v20, v32;
	v32 =	vcvt.f32.s32 v36;
	v36 =	vmul.f32 $4.999992600e-07, v39  }
0x188: {  	v41 =	vadd.s32 v13, v40;
	vm6 =	vlt.s32 v20, $0x0;
	v39 =	vadd.s32 $0x1E8483, v20  }
0x189: {  	v37 =	vmul.u32 $0xFFE17B7D, v37;
	v20 =	vsel vm6, v39, v20;
	v32 =	vmul.u32 $0xFFE17B7D, v32  }
0x18a: {  	vm6 =	vgt.s32 v28, $0x1E8482;
	vm7 =	vgt.s32 v20, $0x1E8482;
	v39 =	vadd.s32 $0xFFE17B7D, v20  }
0x18b: {  	v36 =	vtrunc.f32 v36;
	v20 =	vsel vm7, v39, v20;
	v39 =	vadd.s32 $0xFFE17B7D, v28  }
0x18c: {  	v14 =	vmul.f32 $4.999992600e-07, v14;
	v22 =	vadd.s32 v22, v37;
	[tilespmem:v18+s24+$0x0] =	vst.idx.msk $0xffff, v20;
	v20 =	vcvt.f32.s32 v36  }
0x18d: {  	v31 =	vmul.u32 $0xFFE17B7D, v31;
	vm7 =	vlt.s32 v22, $0x0;
	v32 =	vadd.s32 v35, v32  }
0x18e: {  	v14 =	vtrunc.f32 v14;
	vm8 =	vlt.s32 v32, $0x0;
	v20 =	vmul.u32 $0xFFE17B7D, v20  }
0x18f: {  	v30 =	vadd.s32 v30, v31;
	v35 =	vadd.s32 $0x1E8483, v22;
	v36 =	vadd.s32 $0x1E8483, v32  }
0x190: {  	v22 =	vsel vm7, v35, v22;
	v31 =	vsel vm8, v36, v32;
	v20 =	vadd.s32 v38, v20  }
0x191: {  	v15 =	vmul.u32 $0x4309, v15;
	v32 =	vadd.s32 $0xFFE17B7D, v22;
	v35 =	vadd.s32 $0xFFE17B7D, v31  }
0x192: {  	v24 =	vadd.s32 v10, v24;
	vm7 =	vlt.s32 v30, $0x0;
	v36 =	vmul.u32 $0x83, v17  }
0x193: {  	vm8 =	vgt.s32 v22, $0x1E8482;
	vm9 =	vlt.s32 v20, $0x0;
	v37 =	vadd.s32 $0x1E8483, v20  }
0x194: {  	v22 =	vsel vm8, v32, v22;
	v32 =	vadd.s32 v13, v24;
	v20 =	vsel vm9, v37, v20  }
0x195: {  	v38 =	vadd.s32 $0x1E8483, v30;
	vm8 =	vgt.s32 v20, $0x1E8482;
	v37 =	vadd.s32 $0xFFE17B7D, v20  }
0x196: {  	v14 =	vcvt.f32.s32 v14;
	v30 =	vsel vm7, v38, v30;
	v20 =	vsel vm8, v37, v20  }
0x197: {  	vm7 =	vgt.s32 v30, $0x1E8482;
	v37 =	vmul.u32 $0x83, v22;
	[tilespmem:v19+s24+$0x0] =	vst.idx.msk $0xffff, v20;
	v20 =	vadd.s32 $0xFFE17B7D, v30  }
0x198: {  	vm8 =	vgt.s32 v31, $0x1E8482;
	[tilespmem:v18+s25+$0x0] =	vst.idx.msk $0xffff, v22;
	v22 =	vmul.u32 $0xFFE17B7D, v14;
	v30 =	vsel vm7, v20, v30  }
0x199: {  	v31 =	vsel vm8, v35, v31;
	v14 =	vsel vm5, v34, v33;
	v20 =	vsel vm5, $0x0, v26  }
0x19a: {  	v25 =	vsel vm4, v27, v25;
	[tilespmem:v18+s26+$0x0] =	vst.idx.msk $0xffff, v31;
	v18 =	vadd.s32 v21, v22;
	v21 =	vsel vm3, $0x0, v37  }
0x19b: {  	v22 =	vsel vm5, $0x0, v29;
	v27 =	vld.idx.msk [tilespmem:v41+s6+$0x0], $0xffff;
	vm4 =	vlt.s32 v18, $0x0;
	v31 =	vadd.s32 $0x1E8483, v18;
	[tilespmem:v11+s26+$0x0] =	vst.idx.msk $0xffff, v25;
	v11 =	vmovc v40  }
0x19c: {  	v28 =	vsel vm6, v39, v28;
	v26 =	vadd.s32 v26, v21;
	v18 =	vsel vm4, v31, v18  }
0x19d: {  	v25 =	vsel vm2, $0x0, v28;
	vm4 =	vgt.s32 v18, $0x1E8482;
	v21 =	vadd.s32 $0xFFE17B7D, v18  }
0x19e: {  	v29 =	vmul.u32 $0xFFE17B7D, v23;
	v18 =	vsel vm4, v21, v18;
	v21 =	vcvt.s32.f32 v26  }
0x19f: {  	vm2 =	vmmov vm5;
	vm4 =	vmmov vm3;
	[tilespmem:v19+s25+$0x0] =	vst.idx.msk $0xffff, v18;
	v23 =	vsel vm5, $0x0, v18  }
0x1a0: {  	v17 =	vmul.u32 $0x4309, v17;
	v16 =	vadd.s32 v16, v29;
	v18 =	vmul.f32 $4.999992600e-07, v21  }
0x1a1: {  	vm3 =	vlt.s32 v16, $0x0;
	v29 =	vadd.s32 v36, v27;
	v31 =	vsel vm4, $0x0, v27  }
0x1a2: {  	v33 =	vcvt.s32.f32 v29;
	v34 =	vadd.s32 v15, v29;
	v15 =	vmul.u32 $0x83, v25  }
0x1a3: {  	v21 =	vmul.u32 $0x4309, v20;
	v25 =	vsel vm4, $0x0, v17;
	v18 =	vtrunc.f32 v18  }
0x1a4: {  	v17 =	vmul.f32 $4.999992600e-07, v33;
	v27 =	vadd.s32 v15, v27;
	v18 =	vcvt.f32.s32 v18  }
0x1a5: {  	v35 =	vadd.s32 $0x1E8483, v16;
	v15 =	vsel vm2, $0x0, v31;
	v33 =	vcvt.s32.f32 v27  }
0x1a6: {  	v16 =	vsel vm3, v35, v16;
	v36 =	vcvt.s32.f32 v34;
	v18 =	vmul.u32 $0xFFE17B7D, v18  }
0x1a7: {  	vm3 =	vgt.s32 v16, $0x1E8482;
	v17 =	vtrunc.f32 v17;
	v33 =	vmul.f32 $4.999992600e-07, v33  }
0x1a8: {  	v35 =	vmul.f32 $4.999992600e-07, v36;
	v18 =	vadd.s32 v26, v18;
	v26 =	vadd.s32 $0xFFE17B7D, v16  }
0x1a9: {  	v17 =	vcvt.f32.s32 v17;
	v33 =	vtrunc.f32 v33;
	v16 =	vsel vm3, v26, v16  }
0x1aa: {  	v26 =	vtrunc.f32 v35;
	vm3 =	vlt.s32 v18, $0x0;
	v35 =	vadd.s32 $0x1E8483, v18;
	[tilespmem:v12+s24+$0x0] =	vst.idx.msk $0xffff, v16  }
0x1ab: {  	v18 =	vsel vm3, v35, v18;
	v16 =	vmul.u32 $0xFFE17B7D, v17;
	v17 =	vcvt.f32.s32 v26;
	[tilespmem:v12+s25+$0x0] =	vst.idx.msk $0xffff, v28  }
0x1ac: {  	v26 =	vcvt.f32.s32 v33;
	vm3 =	vgt.s32 v18, $0x1E8482;
	v28 =	vadd.s32 $0xFFE17B7D, v18;
	[tilespmem:v12+s26+$0x0] =	vst.idx.msk $0xffff, v30;
	v12 =	vmovc v24  }
0x1ad: {  	v16 =	vadd.s32 v29, v16;
	v17 =	vmul.u32 $0xFFE17B7D, v17;
	v18 =	vsel vm3, v28, v18  }
0x1ae: {  	vm3 =	vlt.s32 v16, $0x0;
	v24 =	vadd.s32 $0x1E8483, v16;
	[tilespmem:v19+s26+$0x0] =	vst.idx.msk $0xffff, v18;
	v19 =	vmul.u32 $0x83, v31  }
0x1af: {  	v16 =	vsel vm3, v24, v16;
	v17 =	vadd.s32 v34, v17;
	v18 =	vmul.u32 $0xFFE17B7D, v26;
	v26 =	vld.idx.msk [tilespmem:v32+s6+$0x0], $0xffff  }
0x1b0: {  	vm3 =	vgt.s32 v16, $0x1E8482;
	v24 =	vadd.s32 $0xFFE17B7D, v16;
	vm5 =	vlt.s32 v17, $0x0  }
0x1b1: {  	v16 =	vsel vm3, v24, v16;
	v24 =	vadd.s32 $0x1E8483, v17;
	v27 =	vadd.s32 v27, v18  }
.Ltmp1:
0x1b2: {  	v30 =	vadd.s32 $0xFFFFFF39, v14;
	v17 =	vsel vm5, v24, v17;
	vm5 =	vlt.s32 v27, $0x0;
	[tilespmem:v11+s24+$0x0] =	vst.idx.msk $0xffff, v16;
	(pc) =	sbr.rel @p2 .LBB2_5-.Ltmp1, $4  }
0x1b3: {  	v18 =	vadd.s32 v6, v14;
	v28 =	vadd.s32 $0x1E8483, v27;
	vm6 =	vgt.s32 v17, $0x1E8482  }
0x1b4: {  	v24 =	vadd.s32 $0x1, v14;
	v29 =	vadd.s32 v13, v18;
	v16 =	vadd.s32 $0xFFE17B7D, v17  }
0x1b5: {  	vm3 =	vgt.s32 v24, $0xC7;
	v17 =	vsel vm6, v16, v17;
	v16 =	vadd.s32 v19, v26  }
0x1b6: {  	v24 =	vsel vm3, v30, v24;
	v30 =	vmul.u32 $0x83, v17;
	[tilespmem:v11+s25+$0x0] =	vst.idx.msk $0xffff, v17;
	v17 =	vsel vm2, $0x0, v26  }
0x1b7: {  	v19 =	vadd.s32 v6, v24  }
0x1b8: {  	v31 =	vcvt.s32.f32 v16;
	v25 =	vadd.s32 v25, v16;
	v27 =	vsel vm5, v28, v27  }
0x1b9: {  	v20 =	vmul.u32 $0x83, v20;
	v22 =	vmul.u32 $0x4309, v22;
	v23 =	vmul.u32 $0x83, v23  }
0x1ba: {  	v21 =	vsel vm3, $0x0, v21;
	v14 =	vadd.s32 v10, v14;
	v43 =	vmul.u32 $0x4309, v15  }
0x1bb: {  	v29 =	vld.idx.msk [tilespmem:v29+s6+$0x0], $0xffff;
	v44 =	vmul.u32 $0x83, v17;
	v33 =	vcvt.s32.f32 v25;
	v30 =	vsel vm4, $0x0, v30  }
0x1bc: {  	v15 =	vadd.s32 v10, v24;
	v47 =	vmul.f32 $4.999992600e-07, v31;
	v26 =	vadd.s32 v26, v30  }
0x1bd: {  	v32 =	vadd.s32 v13, v19;
	v48 =	vmul.f32 $4.999992600e-07, v33;
	v49 =	vcvt.s32.f32 v26  }
0x1be: {  	vm4 =	vgt.s32 v27, $0x1E8482;
	v38 =	vadd.s32 v13, v14;
	v28 =	vtrunc.f32 v47  }
0x1bf: {  	v46 =	vadd.s32 v13, v15;
	v30 =	vtrunc.f32 v48;
	v31 =	vmul.f32 $4.999992600e-07, v49  }
0x1c0: {  	v28 =	vcvt.f32.s32 v28;
	v20 =	vadd.s32 v20, v29;
	v23 =	vadd.s32 v23, v29  }
0x1c1: {  	v30 =	vcvt.f32.s32 v30;
	v34 =	vcvt.s32.f32 v20;
	v22 =	vadd.s32 v22, v20  }
0x1c2: {  	v33 =	vadd.s32 $0xFFE17B7D, v27;
	v35 =	vcvt.s32.f32 v23;
	v36 =	vcvt.s32.f32 v22  }
0x1c3: {  	v32 =	vld.idx.msk [tilespmem:v32+s6+$0x0], $0xffff;
	v31 =	vtrunc.f32 v31;
	v30 =	vmul.u32 $0xFFE17B7D, v30;
	v34 =	vmul.f32 $4.999992600e-07, v34  }
0x1c4: {  	v29 =	vsel vm3, $0x0, v29;
	v50 =	vmul.f32 $4.999992600e-07, v35;
	v31 =	vcvt.f32.s32 v31  }
0x1c5: {  	v29 =	vmul.u32 $0x83, v29;
	v51 =	vmul.f32 $4.999992600e-07, v36;
	v25 =	vadd.s32 v25, v30  }
0x1c6: {  	v34 =	vtrunc.f32 v34;
	v30 =	vtrunc.f32 v50;
	v60 =	vmul.u32 $0xFFE17B7D, v31  }
0x1c7: {  	vm9 =	vlt.s32 v25, $0x0;
	v34 =	vcvt.f32.s32 v34;
	v52 =	vadd.s32 $0x1E8483, v25  }
0x1c8: {  	v35 =	vtrunc.f32 v51;
	v29 =	vadd.s32 v29, v32;
	v30 =	vcvt.f32.s32 v30  }
0x1c9: {  	v25 =	vsel vm9, v52, v25;
	v53 =	vcvt.s32.f32 v29;
	v21 =	vadd.s32 v21, v29  }
0x1ca: {  	v35 =	vcvt.f32.s32 v35;
	v26 =	vadd.s32 v26, v60;
	v34 =	vmul.u32 $0xFFE17B7D, v34  }
0x1cb: {  	v37 =	vcvt.s32.f32 v21;
	v30 =	vmul.u32 $0xFFE17B7D, v30;
	vm5 =	vgt.s32 v25, $0x1E8482  }
0x1cc: {  	v57 =	vadd.s32 $0xFFE17B7D, v25;
	vm12 =	vlt.s32 v26, $0x0;
	v49 =	vadd.s32 $0x1E8483, v26  }
0x1cd: {  	v36 =	vmul.f32 $4.999992600e-07, v53;
	v54 =	vmul.u32 $0xFFE17B7D, v35;
	v25 =	vsel vm5, v57, v25  }
0x1ce: {  	v20 =	vadd.s32 v20, v34;
	v59 =	vmul.f32 $4.999992600e-07, v37;
	v23 =	vadd.s32 v23, v30  }
0x1cf: {  	vm10 =	vlt.s32 v20, $0x0;
	v34 =	vadd.s32 $0x1E8483, v20;
	v56 =	vtrunc.f32 v36  }
0x1d0: {  	v22 =	vadd.s32 v22, v54;
	vm7 =	vlt.s32 v23, $0x0;
	v40 =	vadd.s32 $0x1E8483, v23  }
0x1d1: {  	v20 =	vsel vm10, v34, v20;
	v58 =	vcvt.f32.s32 v56;
	vm11 =	vlt.s32 v22, $0x0  }
0x1d2: {  	v62 =	vtrunc.f32 v59;
	v63 =	vadd.s32 $0x1E8483, v22;
	v23 =	vsel vm7, v40, v23  }
0x1d3: {  	v56 =	vmul.u32 $0xFFE17B7D, v28;
	v59 =	vmul.u32 $0x4309, v17;
	vm6 =	vgt.s32 v20, $0x1E8482  }
0x1d4: {  	v55 =	vadd.s32 $0xFFE17B7D, v20;
	v22 =	vsel vm11, v63, v22;
	v42 =	vadd.s32 $0xFFE17B7D, v23  }
0x1d5: {  	v34 =	vcvt.f32.s32 v62;
	vm15 =	vgt.s32 v23, $0x1E8482;
	v20 =	vsel vm6, v55, v20  }
0x1d6: {  	v61 =	vmul.u32 $0xFFE17B7D, v58;
	v41 =	vadd.s32 $0xFFE17B7D, v22;
	vm13 =	vgt.s32 v22, $0x1E8482  }
0x1d7: {  	v23 =	vsel vm15, v42, v23;
	v55 =	vsel vm2, $0x0, v25;
	v22 =	vsel vm13, v41, v22;
	[tilespmem:v18+s24+$0x0] =	vst.idx.msk $0xffff, v20  }
0x1d8: {  	vm2 =	vmmov vm3;
	v29 =	vadd.s32 v29, v61;
	v47 =	vmul.u32 $0x83, v22;
	[tilespmem:v18+s25+$0x0] =	vst.idx.msk $0xffff, v22  }
0x1d9: {  	v60 =	vadd.s32 v16, v56;
	vm8 =	vlt.s32 v29, $0x0;
	v45 =	vadd.s32 $0x1E8483, v29;
	[tilespmem:v18+s26+$0x0] =	vst.idx.msk $0xffff, v23  }
0x1da: {  	v50 =	vmul.u32 $0xFFE17B7D, v34;
	v24 =	vsel vm8, v45, v29;
	v29 =	vsel vm3, $0x0, v47;
	v53 =	vld.idx.msk [tilespmem:v38+s6+$0x0], $0xffff  }
0x1db: {  	v20 =	vsel vm12, v49, v26;
	v41 =	vadd.s32 $0x1E8483, v60;
	v29 =	vadd.s32 v32, v29  }
0x1dc: {  	v17 =	vsel vm2, $0x0, v59;
	vm6 =	vgt.s32 v20, $0x1E8482;
	v51 =	vcvt.s32.f32 v29  }
0x1dd: {  	v52 =	vadd.s32 $0xFFE17B7D, v20;
	v21 =	vadd.s32 v21, v50;
	v23 =	vsel vm4, v33, v27  }
0x1de: {  	v27 =	vmul.u32 $0x83, v55;
	vm10 =	vlt.s32 v21, $0x0;
	v18 =	vmul.f32 $4.999992600e-07, v51  }
0x1df: {  	v54 =	vadd.s32 $0x1E8483, v21;
	vm3 =	vlt.s32 v60, $0x0;
	v57 =	vadd.s32 v44, v53  }
0x1e0: {  	vm14 =	vgt.s32 v24, $0x1E8482;
	v18 =	vtrunc.f32 v18;
	v58 =	vadd.s32 v43, v57  }
0x1e1: {  	v21 =	vsel vm10, v54, v21;
	v18 =	vcvt.f32.s32 v18;
	v61 =	vcvt.s32.f32 v58  }
0x1e2: {  	v48 =	vadd.s32 $0xFFE17B7D, v24;
	vm11 =	vgt.s32 v21, $0x1E8482;
	v26 =	vadd.s32 $0xFFE17B7D, v21  }
0x1e3: {  	v21 =	vsel vm11, v26, v21;
	v18 =	vmul.u32 $0xFFE17B7D, v18;
	v26 =	vmul.f32 $4.999992600e-07, v61  }
0x1e4: {  	v16 =	vsel vm3, v41, v60;
	v24 =	vsel vm14, v48, v24;
	v37 =	vadd.s32 v27, v53  }
0x1e5: {  	v63 =	vcvt.s32.f32 v57;
	v18 =	vadd.s32 v29, v18;
	v35 =	vtrunc.f32 v26  }
0x1e6: {  	vm12 =	vlt.s32 v18, $0x0;
	v29 =	vadd.s32 $0x1E8483, v18;
	v38 =	vcvt.f32.s32 v35  }
0x1e7: {  	v40 =	vcvt.s32.f32 v37;
	v39 =	vmul.f32 $4.999992600e-07, v63;
	v18 =	vsel vm12, v29, v18  }
0x1e8: {  	[tilespmem:v19+s24+$0x0] =	vst.idx.msk $0xffff, v24;
	vm4 =	vgt.s32 v18, $0x1E8482;
	v36 =	vadd.s32 $0xFFE17B7D, v18;
	v42 =	vmul.u32 $0xFFE17B7D, v38  }
0x1e9: {  	vm3 =	vgt.s32 v16, $0x1E8482;
	v45 =	vadd.s32 $0xFFE17B7D, v16;
	[tilespmem:v19+s25+$0x0] =	vst.idx.msk $0xffff, v21;
	v18 =	vsel vm4, v36, v18  }
0x1ea: {  	v44 =	vmul.f32 $4.999992600e-07, v40;
	v43 =	vtrunc.f32 v39;
	[tilespmem:v19+s26+$0x0] =	vst.idx.msk $0xffff, v18;
	v18 =	vadd.s32 v58, v42  }
0x1eb: {  	v19 =	vcvt.f32.s32 v43;
	v13 =	vld.idx.msk [tilespmem:v46+s6+$0x0], $0xffff;
	vm13 =	vlt.s32 v18, $0x0;
	v47 =	vadd.s32 $0x1E8483, v18  }
0x1ec: {  	v62 =	vsel vm2, $0x0, v53;
	v22 =	vtrunc.f32 v44;
	v18 =	vsel vm13, v47, v18  }
0x1ed: {  	v19 =	vmul.u32 $0xFFE17B7D, v19;
	vm4 =	vgt.s32 v18, $0x1E8482;
	v27 =	vadd.s32 $0xFFE17B7D, v18  }
0x1ee: {  	v22 =	vcvt.f32.s32 v22;
	v46 =	vmul.u32 $0x83, v62;
	v18 =	vsel vm4, v27, v18  }
0x1ef: {  	v16 =	vsel vm3, v45, v16;
	v19 =	vadd.s32 v57, v19;
	v48 =	vmul.u32 $0x83, v18  }
0x1f0: {  	v22 =	vmul.u32 $0xFFE17B7D, v22;
	vm3 =	vlt.s32 v19, $0x0;
	v26 =	vadd.s32 v46, v13  }
0x1f1: {  	v17 =	vadd.s32 v17, v26;
	v24 =	vsel vm2, $0x0, v48;
	v50 =	vcvt.s32.f32 v26  }
0x1f2: {  	v28 =	vadd.s32 $0x1E8483, v19;
	v49 =	vcvt.s32.f32 v17;
	v13 =	vadd.s32 v13, v24  }
0x1f3: {  	v19 =	vsel vm3, v28, v19;
	v24 =	vcvt.s32.f32 v13;
	v28 =	vmul.f32 $4.999992600e-07, v50  }
0x1f4: {  	v20 =	vsel vm6, v52, v20;
	v21 =	vadd.s32 v37, v22;
	v27 =	vmul.f32 $4.999992600e-07, v49  }
0x1f5: {  	vm2 =	vgt.s32 v19, $0x1E8482;
	v52 =	vmul.f32 $4.999992600e-07, v24;
	v53 =	vtrunc.f32 v28  }
0x1f6: {  	v51 =	vadd.s32 $0xFFE17B7D, v19;
	v27 =	vtrunc.f32 v27;
	v24 =	vcvt.f32.s32 v53  }
0x1f7: {  	v54 =	vadd.s32 $0x1E8483, v21;
	v19 =	vsel vm2, v51, v19;
	v27 =	vcvt.f32.s32 v27  }
0x1f8: {  	vm2 =	vlt.s32 v21, $0x0;
	v22 =	vtrunc.f32 v52;
	v55 =	vmul.u32 $0xFFE17B7D, v24  }
0x1f9: {  	[tilespmem:v11+s26+$0x0] =	vst.idx.msk $0xffff, v23;
	v21 =	vsel vm2, v54, v21;
	v22 =	vcvt.f32.s32 v22;
	v27 =	vmul.u32 $0xFFE17B7D, v27  }
0x1fa: {  	[tilespmem:v12+s24+$0x0] =	vst.idx.msk $0xffff, v16;
	vm3 =	vgt.s32 v21, $0x1E8482;
	v57 =	vadd.s32 $0xFFE17B7D, v21;
	v58 =	vadd.s32 v26, v55  }
0x1fb: {  	[tilespmem:v12+s25+$0x0] =	vst.idx.msk $0xffff, v25;
	v56 =	vmul.u32 $0xFFE17B7D, v22;
	v17 =	vadd.s32 v17, v27;
	vm14 =	vlt.s32 v58, $0x0  }
0x1fc: {  	[tilespmem:v12+s26+$0x0] =	vst.idx.msk $0xffff, v20;
	v60 =	vadd.s32 $0x1E8483, v58;
	vm2 =	vlt.s32 v17, $0x0;
	v11 =	vadd.s32 $0x1E8483, v17  }
0x1fd: {  	v59 =	vadd.s32 v13, v56;
	v13 =	vsel vm14, v60, v58;
	v11 =	vsel vm2, v11, v17  }
0x1fe: {  	[tilespmem:v14+s24+$0x0] =	vst.idx.msk $0xffff, v19;
	vm15 =	vlt.s32 v59, $0x0;
	v16 =	vadd.s32 $0x1E8483, v59;
	v17 =	vsel vm3, v57, v21  }
0x1ff: {  	[tilespmem:v14+s25+$0x0] =	vst.idx.msk $0xffff, v18;
	vm3 =	vgt.s32 v13, $0x1E8482;
	v61 =	vadd.s32 $0xFFE17B7D, v13;
	vm2 =	vgt.s32 v11, $0x1E8482  }
0x200: {  	v62 =	vadd.s32 $0xFFE17B7D, v11;
	v12 =	vsel vm15, v16, v59;
	[tilespmem:v14+s26+$0x0] =	vst.idx.msk $0xffff, v17;
	v13 =	vsel vm3, v61, v13  }
0x201: {  	vm3 =	vgt.s32 v12, $0x1E8482;
	v63 =	vadd.s32 $0xFFE17B7D, v12;
	v11 =	vsel vm2, v62, v11;
	[tilespmem:v15+s24+$0x0] =	vst.idx.msk $0xffff, v13  }
0x202: {  	v12 =	vsel vm3, v63, v12;
	[tilespmem:v15+s25+$0x0] =	vst.idx.msk $0xffff, v11  }
0x203: {  	s13 =	simm.s32 @p0 $0x2;
	[tilespmem:v15+s26+$0x0] =	vst.idx.msk $0xffff, v12  }
0x204: {  	_ =	swait.ge @p0 [sflag:s13], $0x1900  }
0x205: {  	[sflag:s13] =	ssyncset.done @p0 $0x0  }
0x206: {  	[sflag:s13] =	ssyncadd.s32 @p0 $0xFFFFE700  }
0x207: {  	_ =	swait.ge @p0 [sflag:s13], $0x1900  }
0x208: {  	[sflag:s13] =	ssyncset.done @p0 $0x0  }
0x209: {  	[sflag:s13] =	ssyncadd.s32 @p0 $0xFFFFE700  }
0x20a: {  	_ =	swait.ge @p0 [sflag:s13], $0x1900  }
0x20b: {  	[sflag:s13] =	ssyncset.done @p0 $0x0  }
0x20c: {  	s14 =	simm.s32 @p0 $0x14500;
	[sflag:s13] =	ssyncadd.s32 @p0 $0xFFFFE700;
	s13 =	simm.s32 @p0 $0x0  }
0x20d: {  	[hbm4b:s8+s13] =	stream.linear.scatter @p0 [tilespmem:s14], [sflag:$0x4], $0x1900, $0x38;
	[tilespmem:$0x19000] =	vst v63  }
0x20e: {  	s14 =	simm.s32 @p0 $0x15E00  }
0x20f: {  	[hbm4b:s9+s13] =	stream.linear.scatter @p0 [tilespmem:s14], [sflag:$0x4], $0x1900, $0x38;
	[tilespmem:$0x19000] =	vst v63  }
0x210: {  	s14 =	simm.s32 @p0 $0x17700  }
0x211: {  	[hbm4b:s10+s13] =	stream.linear.scatter @p0 [tilespmem:s14], [sflag:$0x4], $0x1900, $0x38;
	[tilespmem:$0x19000] =	vst v63  }
0x212: {  	s13 =	simm.s32 @p0 $0x4  }
0x213: {  	_ =	swait.ge @p0 [sflag:s13], $0x1900  }
0x214: {  	[sflag:s13] =	ssyncset.done @p0 $0x0  }
0x215: {  	[sflag:s13] =	ssyncadd.s32 @p0 $0xFFFFE700  }
0x216: {  	_ =	swait.ge @p0 [sflag:s13], $0x1900  }
0x217: {  	[sflag:s13] =	ssyncset.done @p0 $0x0  }
0x218: {  	[sflag:s13] =	ssyncadd.s32 @p0 $0xFFFFE700  }
0x219: {  	_ =	swait.ge @p0 [sflag:s13], $0x1900  }
0x21a: {  	[sflag:s13] =	ssyncset.done @p0 $0x0  }
0x21b: {  	[sflag:s13] =	ssyncadd.s32 @p0 $0xFFFFE700  }
0x21c: {  	[tilespmem:s28], [sflag:$0x2] =	stream.indirect.gather [hbm4b:s0+s20], $0x1, s24, s20, $0xb8;
	[tilespmem:$0x19000] =	vst v63  }
0x21d: {  	_ = 	snop  }
0x21e: {  	[tilespmem:s29], [sflag:$0x2] =	stream.indirect.gather [hbm4b:s2+s20], $0x1, s25, s20, $0xb8;
	[tilespmem:$0x19000] =	vst v63  }
0x21f: {  	s14 =	simm.s32 $0x1  }
0x220: {  	[tilespmem:s30], [sflag:$0x2] =	stream.indirect.gather [hbm4b:s3+s20], $0x1, s26, s20, $0xb8;
	[tilespmem:$0x19000] =	vst v63  }
0x221: {  	_ =	swait.ge [sflag:s14], $0x1900  }
0x222: {  	[sflag:s14] =	ssyncset.done $0x0  }
0x223: {  	[sflag:s14] =	ssyncadd.s32 $0xFFFFE700  }
0x224: {  	s12 =	sshll.u32 s12, $0x6;
	_ =	swait.ge [sflag:s14], $0x1900  }
0x225: {  	s12 =	sor.u32 s11, s12;
	[sflag:s14] =	ssyncset.done $0x0  }
0x226: {  	s12 =	smul.u32 $0xC8, s12;
	[sflag:s14] =	ssyncadd.s32 $0xFFFFE700  }
0x227: {  	_ =	swait.ge [sflag:s14], $0x1900  }
0x228: {  	s12 =	sshrl.u32 s12, $0x3;
	[sflag:s14] =	ssyncset.done $0x0  }
0x229: {  	s12 =	sadd.s32 s5, s12;
	[sflag:s14] =	ssyncadd.s32 $0xFFFFE700  }
0x22a: {  	[hbm4b:s12+s6] =	stream.linear.scatter [tilespmem:s21], [sflag:$0x3], $0x1900, $0x38;
	[tilespmem:$0x19000] =	vst v63  }
.Ltmp2:
0x22b: {  	s14 =	sadd.s32 $0x19000, s12;
	(pc) =	sbr.rel @p1 .LBB2_2-.Ltmp2, $4  }
0x22c: {  	[hbm4b:s14+s6] =	stream.linear.scatter [tilespmem:s22], [sflag:$0x3], $0x1900, $0x38;
	[tilespmem:$0x19000] =	vst v63  }
0x22d: {  	s12 =	sadd.s32 $0x32000, s12  }
0x22e: {  	[hbm4b:s12+s6] =	stream.linear.scatter [tilespmem:s23], [sflag:$0x3], $0x1900, $0x38;
	[tilespmem:$0x19000] =	vst v63  }
0x22f: {  	p2 =	por $0x0, $0x0;
	p0 =	por $0x1, $0x1;
	s12 =	simm.s32 $0x1  }
0x230: {  	_ =	swait.ge [sflag:s31], $0x1900  }
0x231: {  	[sflag:s31] =	ssyncset.done $0x0  }
0x232: {  	[sflag:s31] =	ssyncadd.s32 $0xFFFFE700  }
0x233: {  	_ =	swait.ge [sflag:s31], $0x1900  }
0x234: {  	[sflag:s31] =	ssyncset.done $0x0  }
0x235: {  	[sflag:s31] =	ssyncadd.s32 $0xFFFFE700  }
0x236: {  	_ =	swait.ge [sflag:s31], $0x1900  }
0x237: {  	[sflag:s31] =	ssyncset.done $0x0  }
0x238: {  	s12 =	rddreg [dreg:$0x7];
	[sflag:s31] =	ssyncadd.s32 $0xFFFFE700  }
0x239: {  	[hbm4b:s12+s6] =	stream.linear.scatter [tilespmem:s28], [sflag:$0x4], $0x1900, $0x38;
	[tilespmem:$0x19000] =	vst v63  }
0x23a: {  	s13 =	rddreg [dreg:$0x8]  }
0x23b: {  	[hbm4b:s13+s6] =	stream.linear.scatter [tilespmem:s29], [sflag:$0x4], $0x1900, $0x38;
	[tilespmem:$0x19000] =	vst v63  }
0x23c: {  	s14 =	rddreg [dreg:$0x9]  }
0x23d: {  	[hbm4b:s14+s6] =	stream.linear.scatter [tilespmem:s30], [sflag:$0x4], $0x1900, $0x38;
	[tilespmem:$0x19000] =	vst v63  }
0x23e: {  	_ =	swait.ge [sflag:s4], $0x1900  }
0x23f: {  	[sflag:s4] =	ssyncset.done $0x0  }
0x240: {  	[sflag:s4] =	ssyncadd.s32 $0xFFFFE700  }
0x241: {  	_ =	swait.ge [sflag:s4], $0x1900  }
0x242: {  	[sflag:s4] =	ssyncset.done $0x0  }
0x243: {  	[sflag:s4] =	ssyncadd.s32 $0xFFFFE700  }
0x244: {  	_ =	swait.ge [sflag:s4], $0x1900  }
0x245: {  	[sflag:s4] =	ssyncset.done $0x0  }
0x246: {  	[sflag:s4] =	ssyncadd.s32 $0xFFFFE700  }
0x247: {  	_ =	swait.ge [sflag:s1], $0x1900  }
0x248: {  	[sflag:s1] =	ssyncset.done $0x0  }
0x249: {  	s7 =	sadd.s32 $0x1, s7;
	[sflag:s1] =	ssyncadd.s32 $0xFFFFE700  }
0x24a: {  	p0 =	sne.s32 s7, s15;
	_ =	swait.ge [sflag:s1], $0x1900  }
.Ltmp3:
0x24b: {  	[sflag:s1] =	ssyncset.done $0x0;
	(pc) =	sbr.rel @p0 .LBB2_1-.Ltmp3, $4  }
0x24c: {  	[sflag:s1] =	ssyncadd.s32 $0xFFFFE700  }
0x24d: {  	_ =	swait.ge [sflag:s1], $0x1900  }
0x24e: {  	[sflag:s1] =	ssyncset.done $0x0  }
0x24f: {  	[sflag:s1] =	ssyncadd.s32 $0xFFFFE700  }
0x250: {  	_ =	sfence.sel $0x180000  }
0x251: {  	[bflag:$0x0] =	sbarrier.arrive $0xFFFF  }
0x252: {  	_ =	strace $0x90000047  }
0x253: {  	s0 =	stileid.u32;
	[bflag:$0x2] =	sbarrier.arrive $0xFFFF  }
0x254: {  	p0 =	sne.s32 s0, $0x0;
	s0 =	rddreg [dreg:$0x5]  }
0x255: {  	s0 =	sadd.s32 @!p0 $0x100000, s0  }
0x256: {  	[sflag:s0] =	ssyncadd.tile.s32 @!p0 $0x1;
	_ =	shalt  }
.Lfunc_end2:
_tile_overlayer_lowered:
.L_overlay_start_2:
0x257: {  	(tag) =	ssettag $0x2  }
0x258: {  	s0 =	rddreg [dreg:$0x0];
	s2 =	stileid.u32  }
0x259: {  	s1 =	rddreg [dreg:$0x1];
	p0 =	sne.s32 s2, $0x0  }
0x25a: {  	s3 =	rddreg [dreg:$0x2];
	[bflag:$0x3] =	sbarrier.arrive $0xFFFF;
	s2 =	simm.s32 @!p0 $0x1C05  }
0x25b: {  	[timem:s3], [sflag:s2] =	dma.local @!p0 [hbm:s0], s1  }
0x25c: {  	s0 =	simm.s32 @!p0 $0x5  }
0x25d: {  	_ =	swait.ge @!p0 [sflag:s0], s1  }
0x25e: {  	s1 =	ssub.s32 @!p0 $0x0, s1;
	[sflag:s0] =	ssyncset.done @!p0 $0x0  }
0x25f: {  	[sflag:s0] =	ssyncadd.s32 @!p0 s1  }
0x260: {  	[bflag:$0x3] =	sbarrier.arrive $0xFFFF  }
0x261: {  	_ =	shalt  }

</sc_bundles>
